<compile_context>
chip_gen: v7x
topology: tpu7x:2x2x1
jax: 0.10.2.dev20260603
libtpu: 0.0.44.dev20260713+nightly
codegen_flags: <defaults>
</compile_context>

<pallas_src>
import functools

import jax
import jax.numpy as jnp
from jax import lax
from jax.experimental import pallas as pl
from jax.experimental.pallas import tpu as pltpu
from jax.experimental.pallas import tpu_sc as plsc

B = 16384
L = 200
NC = 2
NS = 16
NW = NC * NS
ROWS_PER_W = B // NW
CHUNK = 64
NCHUNK = ROWS_PER_W // CHUNK
GROUPS = CHUNK // 16
UNROLL = 8


def _sc_body(x_hbm, s_hbm, wbt_hbm, logit_hbm, label_hbm,
             idx_v, vals_v, out_logit, out_label, wbt_v, sem):
    c = lax.axis_index("c")
    s = lax.axis_index("s")
    wid = s * NC + c
    row0 = wid * ROWS_PER_W

    pltpu.sync_copy(wbt_hbm, wbt_v)
    w = wbt_v[pl.ds(0, 16)]
    bias = wbt_v[pl.ds(16, 16)]
    thresh = wbt_v[pl.ds(32, 16)]
    lanes = lax.iota(jnp.int32, 16)

    for ci in range(NCHUNK):
        base = (row0 + ci * CHUNK) * L
        pltpu.sync_copy(x_hbm.at[pl.ds(base, CHUNK * L)], idx_v)
        pltpu.async_copy(s_hbm.at[idx_v], vals_v, sem).wait()

        def group_body(g, _):
            base_i = (g * 16 + lanes) * L

            def l_body(j, accs):
                a0, a1 = accs
                l0 = j * UNROLL
                for u in range(0, UNROLL, 2):
                    a0 = a0 + plsc.load_gather(vals_v, [base_i + (l0 + u)])
                    a1 = a1 + plsc.load_gather(vals_v, [base_i + (l0 + u + 1)])
                return (a0, a1)

            zero = jnp.zeros((16,), jnp.float32)
            a0, a1 = lax.fori_loop(0, L // UNROLL, l_body, (zero, zero))
            total = a0 + a1
            logit = total * w + bias
            lab = jnp.where(logit >= thresh, 1.0, 0.0).astype(jnp.float32)
            off = ci * CHUNK + g * 16
            out_logit[pl.ds(off, 16)] = logit
            out_label[pl.ds(off, 16)] = lab
            return 0

        lax.fori_loop(0, GROUPS, group_body, 0)

    pltpu.sync_copy(out_logit, logit_hbm.at[pl.ds(row0, ROWS_PER_W)])
    pltpu.sync_copy(out_label, label_hbm.at[pl.ds(row0, ROWS_PER_W)])


@jax.jit
def _run(x_flat, s_flat, wbt):
    mesh = plsc.VectorSubcoreMesh(core_axis_name="c", subcore_axis_name="s")
    f = functools.partial(
        pl.kernel,
        out_type=[
            jax.ShapeDtypeStruct((B,), jnp.float32),
            jax.ShapeDtypeStruct((B,), jnp.float32),
        ],
        mesh=mesh,
        scratch_types=[
            pltpu.VMEM((CHUNK * L,), jnp.int32),
            pltpu.VMEM((CHUNK * L,), jnp.float32),
            pltpu.VMEM((ROWS_PER_W,), jnp.float32),
            pltpu.VMEM((ROWS_PER_W,), jnp.float32),
            pltpu.VMEM((48,), jnp.float32),
            pltpu.SemaphoreType.DMA,
        ],
        compiler_params=pltpu.CompilerParams(needs_layout_passes=False),
    )(_sc_body)
    return f(x_flat, s_flat, wbt)


def kernel(x, S, w, b, thresh_t):
    x_flat = x.reshape(-1)
    s_flat = S.reshape(-1)
    wbt = jnp.concatenate([
        jnp.full((16,), w[0], jnp.float32),
        jnp.full((16,), b[0], jnp.float32),
        jnp.full((16,), thresh_t[0, 0], jnp.float32),
    ])
    logit_f, label_f = _run(x_flat, s_flat, wbt)
    logit = logit_f.reshape(B, 1)
    label = label_f.reshape(B, 1) != 0.0
    return (logit, label)

# --- scband reference (transcript-rebuilt; emitter-appended) ---
"""Pipeline reference for scband-tiny-reduce-sum-sentiment-31834297598093 (READ-ONLY COPY).

The authoritative reference and input builder live on the scoring server;
editing this copy changes nothing except your own understanding.
"""

import jax, jax.numpy as jnp
import numpy as np

VOCAB = 1000000
B = 16384
L = 200

def setup_inputs(seed: int = 0) -> dict:
    key = jax.random.key(seed)
    k1, k2, k3, k4 = jax.random.split(key, 4)
    x = jax.random.randint(k1, (B, L), 0, VOCAB + 1, dtype=jnp.int64 if jax.config.jax_enable_x64 else jnp.int32).astype(jnp.int32)
    S = jax.random.normal(k2, (VOCAB + 1, 1), dtype=jnp.float32)
    w = jax.random.normal(k3, (1,), dtype=jnp.float32)
    b = jax.random.normal(k4, (1,), dtype=jnp.float32)
    thresh_t = jnp.array([[0.0]], dtype=jnp.float32)
    return {"x": x, "S": S, "w": w, "b": b, "thresh_t": thresh_t}

def reference(x, S, w, b, thresh_t):
    # scores = Embedding(x).squeeze(-1) -> [B, L]
    scores = jnp.take(S, x, axis=0).squeeze(-1)
    # sum over sequence dim, keepdim -> [B, 1]
    sum_score = jnp.sum(scores, axis=1, keepdims=True)
    logit = sum_score * w + b
    label_bool = logit >= thresh_t
    return (logit, label_bool)

if __name__ == "__main__":
    import jax
    _d = setup_inputs()
    print(jax.jit(kernel)(*tuple(_d.values())))

</pallas_src>

<mosaic_0001>
#map = affine_map<(d0, d1) -> (0)>
module attributes {stable_mosaic.version = 14 : i64} {
  func.func @_sc_body(%arg0: i32, %arg1: i32, %arg2: memref<3276800xi32, #tpu.memory_space<hbm>>, %arg3: memref<1000001xf32, #tpu.memory_space<hbm>>, %arg4: memref<48xf32, #tpu.memory_space<hbm>>, %arg5: memref<16384xf32, #tpu.memory_space<hbm>>, %arg6: memref<16384xf32, #tpu.memory_space<hbm>>, %arg7: memref<12800xi32, #tpu.memory_space<vmem>>, %arg8: memref<12800xf32, #tpu.memory_space<vmem>>, %arg9: memref<512xf32, #tpu.memory_space<vmem>>, %arg10: memref<512xf32, #tpu.memory_space<vmem>>, %arg11: memref<48xf32, #tpu.memory_space<vmem>>, %arg12: memref<!tpu.dma_semaphore, #tpu.memory_space<semaphore_mem>>) attributes {dimension_semantics = [#tpu.dimension_semantics<core_parallel>, #tpu.dimension_semantics<subcore_parallel>], iteration_bounds = array<i64: 2, 16>, scalar_prefetch = 0 : i64, scratch_operands = 6 : i64, tpu.core_type = #tpu.core_type<sc_vector_subcore>, window_params = [{transform_indices = #map}, {transform_indices = #map}, {transform_indices = #map}, {transform_indices = #map}, {transform_indices = #map}]} {
    %mul3A = arith.constant 2 : i32
    %mul3A_0 = arith.muli %arg1, %mul3A : i32
    %add3A = arith.addi %mul3A_0, %arg0 : i32
    %mul3A_1 = arith.constant 512 : i32
    %mul3A_2 = arith.muli %add3A, %mul3A_1 : i32
    "tpu.region"() ({
      %run_scoped3A = tpu.sem_alloc : memref<!tpu.dma_semaphore, #tpu.memory_space<semaphore_mem>>
      tpu.enqueue_dma source(%arg4 : memref<48xf32, #tpu.memory_space<hbm>>) target(%arg11 : memref<48xf32, #tpu.memory_space<vmem>>) target_semaphore(%run_scoped3A : memref<!tpu.dma_semaphore, #tpu.memory_space<semaphore_mem>>)
      tpu.wait_dma2 semaphore(%run_scoped3A : memref<!tpu.dma_semaphore, #tpu.memory_space<semaphore_mem>>) src(%arg4 : memref<48xf32, #tpu.memory_space<hbm>>) dst(%arg11 : memref<48xf32, #tpu.memory_space<vmem>>)
      tpu.yield
    }) : () -> ()
    %get3A = arith.constant 0 : index
    %get3A_3 = tpu.vector_load %arg11[%get3A] {strides = array<i32>} : memref<48xf32, #tpu.memory_space<vmem>>, vector<16xf32>,
    %get3A_4 = arith.constant 16 : index
    %get3A_5 = tpu.vector_load %arg11[%get3A_4] {strides = array<i32>} : memref<48xf32, #tpu.memory_space<vmem>>, vector<16xf32>,
    %get3A_6 = arith.constant 32 : index
    %get3A_7 = tpu.vector_load %arg11[%get3A_6] {strides = array<i32>} : memref<48xf32, #tpu.memory_space<vmem>>, vector<16xf32>,
    %iota3A = tpu.iota {dimensions = array<i32: 0>} : vector<16xi32>
    %add3A_8 = arith.constant 0 : i32
    %add3A_9 = arith.addi %mul3A_2, %add3A_8 : i32
    %mul3A_10 = arith.constant 200 : i32
    %mul3A_11 = arith.muli %add3A_9, %mul3A_10 : i32
    "tpu.region"() ({
      %run_scoped3A = tpu.sem_alloc : memref<!tpu.dma_semaphore, #tpu.memory_space<semaphore_mem>>
      %dma_start3A_125 = tpu.memref_slice %arg2[%mul3A_11] : memref<3276800xi32, #tpu.memory_space<hbm>> -> memref<12800xi32, #tpu.memory_space<hbm>>
      %dma_start3A_126 = tpu.memref_slice %arg2[%mul3A_11] : memref<3276800xi32, #tpu.memory_space<hbm>> -> memref<12800xi32, #tpu.memory_space<hbm>>
      tpu.enqueue_dma source(%dma_start3A_126 : memref<12800xi32, #tpu.memory_space<hbm>>) target(%arg7 : memref<12800xi32, #tpu.memory_space<vmem>>) target_semaphore(%run_scoped3A : memref<!tpu.dma_semaphore, #tpu.memory_space<semaphore_mem>>)
      %dma_wait3A_127 = tpu.memref_slice %arg2[%mul3A_11] : memref<3276800xi32, #tpu.memory_space<hbm>> -> memref<12800xi32, #tpu.memory_space<hbm>>
      %dma_wait3A_128 = tpu.memref_slice %arg2[%mul3A_11] : memref<3276800xi32, #tpu.memory_space<hbm>> -> memref<12800xi32, #tpu.memory_space<hbm>>
      tpu.wait_dma2 semaphore(%run_scoped3A : memref<!tpu.dma_semaphore, #tpu.memory_space<semaphore_mem>>) src(%dma_wait3A_128 : memref<12800xi32, #tpu.memory_space<hbm>>) dst(%arg7 : memref<12800xi32, #tpu.memory_space<vmem>>)
      tpu.yield
    }) : () -> ()
    %dma_start3A = arith.constant 0 : i32
    %dma_start3A_12 = tpu.memref_slice %arg3[%dma_start3A] : memref<1000001xf32, #tpu.memory_space<hbm>> -> memref<1000001xf32, #tpu.memory_space<hbm>>
    tpu.enqueue_indirect_dma source(%dma_start3A_12 : memref<1000001xf32, #tpu.memory_space<hbm>>) target(%arg8 : memref<12800xf32, #tpu.memory_space<vmem>>) offsets(%arg7 : memref<12800xi32, #tpu.memory_space<vmem>>) semaphore(%arg12 : memref<!tpu.dma_semaphore, #tpu.memory_space<semaphore_mem>>)
    %dma_wait3A = arith.constant 0 : i32
    %dma_wait3A_13 = tpu.memref_slice %arg3[%dma_wait3A] : memref<1000001xf32, #tpu.memory_space<hbm>> -> memref<1000001xf32, #tpu.memory_space<hbm>>
    tpu.wait_indirect_dma semaphore(%arg12 : memref<!tpu.dma_semaphore, #tpu.memory_space<semaphore_mem>>) src(%dma_wait3A_13 : memref<1000001xf32, #tpu.memory_space<hbm>>) dst(%arg8 : memref<12800xf32, #tpu.memory_space<vmem>>)
    %scan3A = arith.constant 0 : i32
    %scan3A_14 = arith.constant 0 : i32
    %scan3A_15 = arith.constant 4 : i32
    %scan3A_16 = arith.addi %scan3A_14, %scan3A_15 : i32
    %scan3A_17 = arith.constant 1 : i32
    %scan3A_18 = scf.for %scan3A_125 = %scan3A_14 to %scan3A_16 step %scan3A_17 iter_args(%scan3A_126 = %scan3A) -> (i32)  : i32 {
      %mul3A_127 = arith.constant 16 : i32
      %mul3A_128 = arith.muli %scan3A_125, %mul3A_127 : i32
      %add3A_129 = vector.broadcast %mul3A_128 : i32 to vector<16xi32>
      %add3A_130 = arith.addi %add3A_129, %iota3A : vector<16xi32>
      %mul3A_131 = arith.constant 200 : i32
      %mul3A_132 = vector.broadcast %mul3A_131 : i32 to vector<16xi32>
      %mul3A_133 = arith.muli %add3A_130, %mul3A_132 : vector<16xi32>
      %broadcast_in_dim3A = arith.constant 0.000000e+00 : f32
      %broadcast_in_dim3A_134 = vector.broadcast %broadcast_in_dim3A : f32 to vector<16xf32>
      %scan3A_135 = arith.constant 0 : i32
      %scan3A_136 = arith.constant 25 : i32
      %scan3A_137 = arith.addi %scan3A_135, %scan3A_136 : i32
      %scan3A_138 = arith.constant 1 : i32
      %scan3A_139:2 = scf.for %scan3A_155 = %scan3A_135 to %scan3A_137 step %scan3A_138 iter_args(%scan3A_156 = %broadcast_in_dim3A_134, %scan3A_157 = %broadcast_in_dim3A_134) -> (vector<16xf32>, vector<16xf32>)  : i32 {
        %mul3A_158 = arith.constant 8 : i32
        %mul3A_159 = arith.muli %scan3A_155, %mul3A_158 : i32
        %add3A_160 = arith.constant 0 : i32
        %add3A_161 = arith.addi %mul3A_159, %add3A_160 : i32
        %add3A_162 = vector.broadcast %add3A_161 : i32 to vector<16xi32>
        %add3A_163 = arith.addi %mul3A_133, %add3A_162 : vector<16xi32>
        %gather3A = tpu.vector_load_idx %arg8[%add3A_163] : memref<12800xf32, #tpu.memory_space<vmem>>[vector<16xi32>], vector<16xf32>,
        %add3A_164 = arith.addf %scan3A_156, %gather3A : vector<16xf32>
        %add3A_165 = arith.constant 0 : i32
        %add3A_166 = arith.addi %mul3A_159, %add3A_165 : i32
        %add3A_167 = arith.constant 1 : i32
        %add3A_168 = arith.addi %add3A_166, %add3A_167 : i32
        %add3A_169 = vector.broadcast %add3A_168 : i32 to vector<16xi32>
        %add3A_170 = arith.addi %mul3A_133, %add3A_169 : vector<16xi32>
        %gather3A_171 = tpu.vector_load_idx %arg8[%add3A_170] : memref<12800xf32, #tpu.memory_space<vmem>>[vector<16xi32>], vector<16xf32>,
        %add3A_172 = arith.addf %scan3A_157, %gather3A_171 : vector<16xf32>
        %add3A_173 = arith.constant 2 : i32
        %add3A_174 = arith.addi %mul3A_159, %add3A_173 : i32
        %add3A_175 = vector.broadcast %add3A_174 : i32 to vector<16xi32>
        %add3A_176 = arith.addi %mul3A_133, %add3A_175 : vector<16xi32>
        %gather3A_177 = tpu.vector_load_idx %arg8[%add3A_176] : memref<12800xf32, #tpu.memory_space<vmem>>[vector<16xi32>], vector<16xf32>,
        %add3A_178 = arith.addf %add3A_164, %gather3A_177 : vector<16xf32>
        %add3A_179 = arith.constant 2 : i32
        %add3A_180 = arith.addi %mul3A_159, %add3A_179 : i32
        %add3A_181 = arith.constant 1 : i32
        %add3A_182 = arith.addi %add3A_180, %add3A_181 : i32
        %add3A_183 = vector.broadcast %add3A_182 : i32 to vector<16xi32>
        %add3A_184 = arith.addi %mul3A_133, %add3A_183 : vector<16xi32>
        %gather3A_185 = tpu.vector_load_idx %arg8[%add3A_184] : memref<12800xf32, #tpu.memory_space<vmem>>[vector<16xi32>], vector<16xf32>,
        %add3A_186 = arith.addf %add3A_172, %gather3A_185 : vector<16xf32>
        %add3A_187 = arith.constant 4 : i32
        %add3A_188 = arith.addi %mul3A_159, %add3A_187 : i32
        %add3A_189 = vector.broadcast %add3A_188 : i32 to vector<16xi32>
        %add3A_190 = arith.addi %mul3A_133, %add3A_189 : vector<16xi32>
        %gather3A_191 = tpu.vector_load_idx %arg8[%add3A_190] : memref<12800xf32, #tpu.memory_space<vmem>>[vector<16xi32>], vector<16xf32>,
        %add3A_192 = arith.addf %add3A_178, %gather3A_191 : vector<16xf32>
        %add3A_193 = arith.constant 4 : i32
        %add3A_194 = arith.addi %mul3A_159, %add3A_193 : i32
        %add3A_195 = arith.constant 1 : i32
        %add3A_196 = arith.addi %add3A_194, %add3A_195 : i32
        %add3A_197 = vector.broadcast %add3A_196 : i32 to vector<16xi32>
        %add3A_198 = arith.addi %mul3A_133, %add3A_197 : vector<16xi32>
        %gather3A_199 = tpu.vector_load_idx %arg8[%add3A_198] : memref<12800xf32, #tpu.memory_space<vmem>>[vector<16xi32>], vector<16xf32>,
        %add3A_200 = arith.addf %add3A_186, %gather3A_199 : vector<16xf32>
        %add3A_201 = arith.constant 6 : i32
        %add3A_202 = arith.addi %mul3A_159, %add3A_201 : i32
        %add3A_203 = vector.broadcast %add3A_202 : i32 to vector<16xi32>
        %add3A_204 = arith.addi %mul3A_133, %add3A_203 : vector<16xi32>
        %gather3A_205 = tpu.vector_load_idx %arg8[%add3A_204] : memref<12800xf32, #tpu.memory_space<vmem>>[vector<16xi32>], vector<16xf32>,
        %add3A_206 = arith.addf %add3A_192, %gather3A_205 : vector<16xf32>
        %add3A_207 = arith.constant 6 : i32
        %add3A_208 = arith.addi %mul3A_159, %add3A_207 : i32
        %add3A_209 = arith.constant 1 : i32
        %add3A_210 = arith.addi %add3A_208, %add3A_209 : i32
        %add3A_211 = vector.broadcast %add3A_210 : i32 to vector<16xi32>
        %add3A_212 = arith.addi %mul3A_133, %add3A_211 : vector<16xi32>
        %gather3A_213 = tpu.vector_load_idx %arg8[%add3A_212] : memref<12800xf32, #tpu.memory_space<vmem>>[vector<16xi32>], vector<16xf32>,
        %add3A_214 = arith.addf %add3A_200, %gather3A_213 : vector<16xf32>
        scf.yield %add3A_206, %add3A_214 : vector<16xf32>, vector<16xf32>
      }
      %scan3A_140 = arith.constant 25 : i32
      %add3A_141 = arith.addf %scan3A_139#0, %scan3A_139#1 : vector<16xf32>
      %mul3A_142 = arith.mulf %add3A_141, %get3A_3 : vector<16xf32>
      %add3A_143 = arith.addf %mul3A_142, %get3A_5 : vector<16xf32>
      %ge3A = arith.cmpf oge, %add3A_143, %get3A_7 : vector<16xf32>
      %jit3A = arith.constant 1.000000e+00 : f32
      %jit3A_144 = arith.constant 0.000000e+00 : f32
      %broadcast_in_dim3A_145 = vector.broadcast %jit3A : f32 to vector<16xf32>
      %broadcast_in_dim3A_146 = vector.broadcast %jit3A_144 : f32 to vector<16xf32>
      %select_n3A = arith.select %ge3A, %broadcast_in_dim3A_145, %broadcast_in_dim3A_146 : vector<16xi1>, vector<16xf32>
      %mul3A_147 = arith.constant 16 : i32
      %mul3A_148 = arith.muli %scan3A_125, %mul3A_147 : i32
      %add3A_149 = arith.constant 0 : i32
      %add3A_150 = arith.addi %add3A_149, %mul3A_148 : i32
      %swap3A = arith.index_cast %add3A_150 : i32 to index
      %swap3A_151 = tpu.vector_load %arg9[%swap3A] {strides = array<i32>} : memref<512xf32, #tpu.memory_space<vmem>>, vector<16xf32>,
      tpu.vector_store %arg9[%swap3A], %add3A_143 {strides = array<i32>} : memref<512xf32, #tpu.memory_space<vmem>>, vector<16xf32>,
      %swap3A_152 = arith.index_cast %add3A_150 : i32 to index
      %swap3A_153 = tpu.vector_load %arg10[%swap3A_152] {strides = array<i32>} : memref<512xf32, #tpu.memory_space<vmem>>, vector<16xf32>,
      tpu.vector_store %arg10[%swap3A_152], %select_n3A {strides = array<i32>} : memref<512xf32, #tpu.memory_space<vmem>>, vector<16xf32>,
      %scan3A_154 = arith.constant 0 : i32
      scf.yield %scan3A_154 : i32
    }
    %scan3A_19 = arith.constant 4 : i32
    %add3A_20 = arith.constant 64 : i32
    %add3A_21 = arith.addi %mul3A_2, %add3A_20 : i32
    %mul3A_22 = arith.constant 200 : i32
    %mul3A_23 = arith.muli %add3A_21, %mul3A_22 : i32
    "tpu.region"() ({
      %run_scoped3A = tpu.sem_alloc : memref<!tpu.dma_semaphore, #tpu.memory_space<semaphore_mem>>
      %dma_start3A_125 = tpu.memref_slice %arg2[%mul3A_23] : memref<3276800xi32, #tpu.memory_space<hbm>> -> memref<12800xi32, #tpu.memory_space<hbm>>
      %dma_start3A_126 = tpu.memref_slice %arg2[%mul3A_23] : memref<3276800xi32, #tpu.memory_space<hbm>> -> memref<12800xi32, #tpu.memory_space<hbm>>
      tpu.enqueue_dma source(%dma_start3A_126 : memref<12800xi32, #tpu.memory_space<hbm>>) target(%arg7 : memref<12800xi32, #tpu.memory_space<vmem>>) target_semaphore(%run_scoped3A : memref<!tpu.dma_semaphore, #tpu.memory_space<semaphore_mem>>)
      %dma_wait3A_127 = tpu.memref_slice %arg2[%mul3A_23] : memref<3276800xi32, #tpu.memory_space<hbm>> -> memref<12800xi32, #tpu.memory_space<hbm>>
      %dma_wait3A_128 = tpu.memref_slice %arg2[%mul3A_23] : memref<3276800xi32, #tpu.memory_space<hbm>> -> memref<12800xi32, #tpu.memory_space<hbm>>
      tpu.wait_dma2 semaphore(%run_scoped3A : memref<!tpu.dma_semaphore, #tpu.memory_space<semaphore_mem>>) src(%dma_wait3A_128 : memref<12800xi32, #tpu.memory_space<hbm>>) dst(%arg7 : memref<12800xi32, #tpu.memory_space<vmem>>)
      tpu.yield
    }) : () -> ()
    %dma_start3A_24 = arith.constant 0 : i32
    %dma_start3A_25 = tpu.memref_slice %arg3[%dma_start3A_24] : memref<1000001xf32, #tpu.memory_space<hbm>> -> memref<1000001xf32, #tpu.memory_space<hbm>>
    tpu.enqueue_indirect_dma source(%dma_start3A_25 : memref<1000001xf32, #tpu.memory_space<hbm>>) target(%arg8 : memref<12800xf32, #tpu.memory_space<vmem>>) offsets(%arg7 : memref<12800xi32, #tpu.memory_space<vmem>>) semaphore(%arg12 : memref<!tpu.dma_semaphore, #tpu.memory_space<semaphore_mem>>)
    %dma_wait3A_26 = arith.constant 0 : i32
    %dma_wait3A_27 = tpu.memref_slice %arg3[%dma_wait3A_26] : memref<1000001xf32, #tpu.memory_space<hbm>> -> memref<1000001xf32, #tpu.memory_space<hbm>>
    tpu.wait_indirect_dma semaphore(%arg12 : memref<!tpu.dma_semaphore, #tpu.memory_space<semaphore_mem>>) src(%dma_wait3A_27 : memref<1000001xf32, #tpu.memory_space<hbm>>) dst(%arg8 : memref<12800xf32, #tpu.memory_space<vmem>>)
    %scan3A_28 = arith.constant 0 : i32
    %scan3A_29 = arith.constant 0 : i32
    %scan3A_30 = arith.constant 4 : i32
    %scan3A_31 = arith.addi %scan3A_29, %scan3A_30 : i32
    %scan3A_32 = arith.constant 1 : i32
    %scan3A_33 = scf.for %scan3A_125 = %scan3A_29 to %scan3A_31 step %scan3A_32 iter_args(%scan3A_126 = %scan3A_28) -> (i32)  : i32 {
      %mul3A_127 = arith.constant 16 : i32
      %mul3A_128 = arith.muli %scan3A_125, %mul3A_127 : i32
      %add3A_129 = vector.broadcast %mul3A_128 : i32 to vector<16xi32>
      %add3A_130 = arith.addi %add3A_129, %iota3A : vector<16xi32>
      %mul3A_131 = arith.constant 200 : i32
      %mul3A_132 = vector.broadcast %mul3A_131 : i32 to vector<16xi32>
      %mul3A_133 = arith.muli %add3A_130, %mul3A_132 : vector<16xi32>
      %broadcast_in_dim3A = arith.constant 0.000000e+00 : f32
      %broadcast_in_dim3A_134 = vector.broadcast %broadcast_in_dim3A : f32 to vector<16xf32>
      %scan3A_135 = arith.constant 0 : i32
      %scan3A_136 = arith.constant 25 : i32
      %scan3A_137 = arith.addi %scan3A_135, %scan3A_136 : i32
      %scan3A_138 = arith.constant 1 : i32
      %scan3A_139:2 = scf.for %scan3A_155 = %scan3A_135 to %scan3A_137 step %scan3A_138 iter_args(%scan3A_156 = %broadcast_in_dim3A_134, %scan3A_157 = %broadcast_in_dim3A_134) -> (vector<16xf32>, vector<16xf32>)  : i32 {
        %mul3A_158 = arith.constant 8 : i32
        %mul3A_159 = arith.muli %scan3A_155, %mul3A_158 : i32
        %add3A_160 = arith.constant 0 : i32
        %add3A_161 = arith.addi %mul3A_159, %add3A_160 : i32
        %add3A_162 = vector.broadcast %add3A_161 : i32 to vector<16xi32>
        %add3A_163 = arith.addi %mul3A_133, %add3A_162 : vector<16xi32>
        %gather3A = tpu.vector_load_idx %arg8[%add3A_163] : memref<12800xf32, #tpu.memory_space<vmem>>[vector<16xi32>], vector<16xf32>,
        %add3A_164 = arith.addf %scan3A_156, %gather3A : vector<16xf32>
        %add3A_165 = arith.constant 0 : i32
        %add3A_166 = arith.addi %mul3A_159, %add3A_165 : i32
        %add3A_167 = arith.constant 1 : i32
        %add3A_168 = arith.addi %add3A_166, %add3A_167 : i32
        %add3A_169 = vector.broadcast %add3A_168 : i32 to vector<16xi32>
        %add3A_170 = arith.addi %mul3A_133, %add3A_169 : vector<16xi32>
        %gather3A_171 = tpu.vector_load_idx %arg8[%add3A_170] : memref<12800xf32, #tpu.memory_space<vmem>>[vector<16xi32>], vector<16xf32>,
        %add3A_172 = arith.addf %scan3A_157, %gather3A_171 : vector<16xf32>
        %add3A_173 = arith.constant 2 : i32
        %add3A_174 = arith.addi %mul3A_159, %add3A_173 : i32
        %add3A_175 = vector.broadcast %add3A_174 : i32 to vector<16xi32>
        %add3A_176 = arith.addi %mul3A_133, %add3A_175 : vector<16xi32>
        %gather3A_177 = tpu.vector_load_idx %arg8[%add3A_176] : memref<12800xf32, #tpu.memory_space<vmem>>[vector<16xi32>], vector<16xf32>,
        %add3A_178 = arith.addf %add3A_164, %gather3A_177 : vector<16xf32>
        %add3A_179 = arith.constant 2 : i32
        %add3A_180 = arith.addi %mul3A_159, %add3A_179 : i32
        %add3A_181 = arith.constant 1 : i32
        %add3A_182 = arith.addi %add3A_180, %add3A_181 : i32
        %add3A_183 = vector.broadcast %add3A_182 : i32 to vector<16xi32>
        %add3A_184 = arith.addi %mul3A_133, %add3A_183 : vector<16xi32>
        %gather3A_185 = tpu.vector_load_idx %arg8[%add3A_184] : memref<12800xf32, #tpu.memory_space<vmem>>[vector<16xi32>], vector<16xf32>,
        %add3A_186 = arith.addf %add3A_172, %gather3A_185 : vector<16xf32>
        %add3A_187 = arith.constant 4 : i32
        %add3A_188 = arith.addi %mul3A_159, %add3A_187 : i32
        %add3A_189 = vector.broadcast %add3A_188 : i32 to vector<16xi32>
        %add3A_190 = arith.addi %mul3A_133, %add3A_189 : vector<16xi32>
        %gather3A_191 = tpu.vector_load_idx %arg8[%add3A_190] : memref<12800xf32, #tpu.memory_space<vmem>>[vector<16xi32>], vector<16xf32>,
        %add3A_192 = arith.addf %add3A_178, %gather3A_191 : vector<16xf32>
        %add3A_193 = arith.constant 4 : i32
        %add3A_194 = arith.addi %mul3A_159, %add3A_193 : i32
        %add3A_195 = arith.constant 1 : i32
        %add3A_196 = arith.addi %add3A_194, %add3A_195 : i32
        %add3A_197 = vector.broadcast %add3A_196 : i32 to vector<16xi32>
        %add3A_198 = arith.addi %mul3A_133, %add3A_197 : vector<16xi32>
        %gather3A_199 = tpu.vector_load_idx %arg8[%add3A_198] : memref<12800xf32, #tpu.memory_space<vmem>>[vector<16xi32>], vector<16xf32>,
        %add3A_200 = arith.addf %add3A_186, %gather3A_199 : vector<16xf32>
        %add3A_201 = arith.constant 6 : i32
        %add3A_202 = arith.addi %mul3A_159, %add3A_201 : i32
        %add3A_203 = vector.broadcast %add3A_202 : i32 to vector<16xi32>
        %add3A_204 = arith.addi %mul3A_133, %add3A_203 : vector<16xi32>
        %gather3A_205 = tpu.vector_load_idx %arg8[%add3A_204] : memref<12800xf32, #tpu.memory_space<vmem>>[vector<16xi32>], vector<16xf32>,
        %add3A_206 = arith.addf %add3A_192, %gather3A_205 : vector<16xf32>
        %add3A_207 = arith.constant 6 : i32
        %add3A_208 = arith.addi %mul3A_159, %add3A_207 : i32
        %add3A_209 = arith.constant 1 : i32
        %add3A_210 = arith.addi %add3A_208, %add3A_209 : i32
        %add3A_211 = vector.broadcast %add3A_210 : i32 to vector<16xi32>
        %add3A_212 = arith.addi %mul3A_133, %add3A_211 : vector<16xi32>
        %gather3A_213 = tpu.vector_load_idx %arg8[%add3A_212] : memref<12800xf32, #tpu.memory_space<vmem>>[vector<16xi32>], vector<16xf32>,
        %add3A_214 = arith.addf %add3A_200, %gather3A_213 : vector<16xf32>
        scf.yield %add3A_206, %add3A_214 : vector<16xf32>, vector<16xf32>
      }
      %scan3A_140 = arith.constant 25 : i32
      %add3A_141 = arith.addf %scan3A_139#0, %scan3A_139#1 : vector<16xf32>
      %mul3A_142 = arith.mulf %add3A_141, %get3A_3 : vector<16xf32>
      %add3A_143 = arith.addf %mul3A_142, %get3A_5 : vector<16xf32>
      %ge3A = arith.cmpf oge, %add3A_143, %get3A_7 : vector<16xf32>
      %jit3A = arith.constant 1.000000e+00 : f32
      %jit3A_144 = arith.constant 0.000000e+00 : f32
      %broadcast_in_dim3A_145 = vector.broadcast %jit3A : f32 to vector<16xf32>
      %broadcast_in_dim3A_146 = vector.broadcast %jit3A_144 : f32 to vector<16xf32>
      %select_n3A = arith.select %ge3A, %broadcast_in_dim3A_145, %broadcast_in_dim3A_146 : vector<16xi1>, vector<16xf32>
      %mul3A_147 = arith.constant 16 : i32
      %mul3A_148 = arith.muli %scan3A_125, %mul3A_147 : i32
      %add3A_149 = arith.constant 64 : i32
      %add3A_150 = arith.addi %add3A_149, %mul3A_148 : i32
      %swap3A = arith.index_cast %add3A_150 : i32 to index
      %swap3A_151 = tpu.vector_load %arg9[%swap3A] {strides = array<i32>} : memref<512xf32, #tpu.memory_space<vmem>>, vector<16xf32>,
      tpu.vector_store %arg9[%swap3A], %add3A_143 {strides = array<i32>} : memref<512xf32, #tpu.memory_space<vmem>>, vector<16xf32>,
      %swap3A_152 = arith.index_cast %add3A_150 : i32 to index
      %swap3A_153 = tpu.vector_load %arg10[%swap3A_152] {strides = array<i32>} : memref<512xf32, #tpu.memory_space<vmem>>, vector<16xf32>,
      tpu.vector_store %arg10[%swap3A_152], %select_n3A {strides = array<i32>} : memref<512xf32, #tpu.memory_space<vmem>>, vector<16xf32>,
      %scan3A_154 = arith.constant 0 : i32
      scf.yield %scan3A_154 : i32
    }
    %scan3A_34 = arith.constant 4 : i32
    %add3A_35 = arith.constant 128 : i32
    %add3A_36 = arith.addi %mul3A_2, %add3A_35 : i32
    %mul3A_37 = arith.constant 200 : i32
    %mul3A_38 = arith.muli %add3A_36, %mul3A_37 : i32
    "tpu.region"() ({
      %run_scoped3A = tpu.sem_alloc : memref<!tpu.dma_semaphore, #tpu.memory_space<semaphore_mem>>
      %dma_start3A_125 = tpu.memref_slice %arg2[%mul3A_38] : memref<3276800xi32, #tpu.memory_space<hbm>> -> memref<12800xi32, #tpu.memory_space<hbm>>
      %dma_start3A_126 = tpu.memref_slice %arg2[%mul3A_38] : memref<3276800xi32, #tpu.memory_space<hbm>> -> memref<12800xi32, #tpu.memory_space<hbm>>
      tpu.enqueue_dma source(%dma_start3A_126 : memref<12800xi32, #tpu.memory_space<hbm>>) target(%arg7 : memref<12800xi32, #tpu.memory_space<vmem>>) target_semaphore(%run_scoped3A : memref<!tpu.dma_semaphore, #tpu.memory_space<semaphore_mem>>)
      %dma_wait3A_127 = tpu.memref_slice %arg2[%mul3A_38] : memref<3276800xi32, #tpu.memory_space<hbm>> -> memref<12800xi32, #tpu.memory_space<hbm>>
      %dma_wait3A_128 = tpu.memref_slice %arg2[%mul3A_38] : memref<3276800xi32, #tpu.memory_space<hbm>> -> memref<12800xi32, #tpu.memory_space<hbm>>
      tpu.wait_dma2 semaphore(%run_scoped3A : memref<!tpu.dma_semaphore, #tpu.memory_space<semaphore_mem>>) src(%dma_wait3A_128 : memref<12800xi32, #tpu.memory_space<hbm>>) dst(%arg7 : memref<12800xi32, #tpu.memory_space<vmem>>)
      tpu.yield
    }) : () -> ()
    %dma_start3A_39 = arith.constant 0 : i32
    %dma_start3A_40 = tpu.memref_slice %arg3[%dma_start3A_39] : memref<1000001xf32, #tpu.memory_space<hbm>> -> memref<1000001xf32, #tpu.memory_space<hbm>>
    tpu.enqueue_indirect_dma source(%dma_start3A_40 : memref<1000001xf32, #tpu.memory_space<hbm>>) target(%arg8 : memref<12800xf32, #tpu.memory_space<vmem>>) offsets(%arg7 : memref<12800xi32, #tpu.memory_space<vmem>>) semaphore(%arg12 : memref<!tpu.dma_semaphore, #tpu.memory_space<semaphore_mem>>)
    %dma_wait3A_41 = arith.constant 0 : i32
    %dma_wait3A_42 = tpu.memref_slice %arg3[%dma_wait3A_41] : memref<1000001xf32, #tpu.memory_space<hbm>> -> memref<1000001xf32, #tpu.memory_space<hbm>>
    tpu.wait_indirect_dma semaphore(%arg12 : memref<!tpu.dma_semaphore, #tpu.memory_space<semaphore_mem>>) src(%dma_wait3A_42 : memref<1000001xf32, #tpu.memory_space<hbm>>) dst(%arg8 : memref<12800xf32, #tpu.memory_space<vmem>>)
    %scan3A_43 = arith.constant 0 : i32
    %scan3A_44 = arith.constant 0 : i32
    %scan3A_45 = arith.constant 4 : i32
    %scan3A_46 = arith.addi %scan3A_44, %scan3A_45 : i32
    %scan3A_47 = arith.constant 1 : i32
    %scan3A_48 = scf.for %scan3A_125 = %scan3A_44 to %scan3A_46 step %scan3A_47 iter_args(%scan3A_126 = %scan3A_43) -> (i32)  : i32 {
      %mul3A_127 = arith.constant 16 : i32
      %mul3A_128 = arith.muli %scan3A_125, %mul3A_127 : i32
      %add3A_129 = vector.broadcast %mul3A_128 : i32 to vector<16xi32>
      %add3A_130 = arith.addi %add3A_129, %iota3A : vector<16xi32>
      %mul3A_131 = arith.constant 200 : i32
      %mul3A_132 = vector.broadcast %mul3A_131 : i32 to vector<16xi32>
      %mul3A_133 = arith.muli %add3A_130, %mul3A_132 : vector<16xi32>
      %broadcast_in_dim3A = arith.constant 0.000000e+00 : f32
      %broadcast_in_dim3A_134 = vector.broadcast %broadcast_in_dim3A : f32 to vector<16xf32>
      %scan3A_135 = arith.constant 0 : i32
      %scan3A_136 = arith.constant 25 : i32
      %scan3A_137 = arith.addi %scan3A_135, %scan3A_136 : i32
      %scan3A_138 = arith.constant 1 : i32
      %scan3A_139:2 = scf.for %scan3A_155 = %scan3A_135 to %scan3A_137 step %scan3A_138 iter_args(%scan3A_156 = %broadcast_in_dim3A_134, %scan3A_157 = %broadcast_in_dim3A_134) -> (vector<16xf32>, vector<16xf32>)  : i32 {
        %mul3A_158 = arith.constant 8 : i32
        %mul3A_159 = arith.muli %scan3A_155, %mul3A_158 : i32
        %add3A_160 = arith.constant 0 : i32
        %add3A_161 = arith.addi %mul3A_159, %add3A_160 : i32
        %add3A_162 = vector.broadcast %add3A_161 : i32 to vector<16xi32>
        %add3A_163 = arith.addi %mul3A_133, %add3A_162 : vector<16xi32>
        %gather3A = tpu.vector_load_idx %arg8[%add3A_163] : memref<12800xf32, #tpu.memory_space<vmem>>[vector<16xi32>], vector<16xf32>,
        %add3A_164 = arith.addf %scan3A_156, %gather3A : vector<16xf32>
        %add3A_165 = arith.constant 0 : i32
        %add3A_166 = arith.addi %mul3A_159, %add3A_165 : i32
        %add3A_167 = arith.constant 1 : i32
        %add3A_168 = arith.addi %add3A_166, %add3A_167 : i32
        %add3A_169 = vector.broadcast %add3A_168 : i32 to vector<16xi32>
        %add3A_170 = arith.addi %mul3A_133, %add3A_169 : vector<16xi32>
        %gather3A_171 = tpu.vector_load_idx %arg8[%add3A_170] : memref<12800xf32, #tpu.memory_space<vmem>>[vector<16xi32>], vector<16xf32>,
        %add3A_172 = arith.addf %scan3A_157, %gather3A_171 : vector<16xf32>
        %add3A_173 = arith.constant 2 : i32
        %add3A_174 = arith.addi %mul3A_159, %add3A_173 : i32
        %add3A_175 = vector.broadcast %add3A_174 : i32 to vector<16xi32>
        %add3A_176 = arith.addi %mul3A_133, %add3A_175 : vector<16xi32>
        %gather3A_177 = tpu.vector_load_idx %arg8[%add3A_176] : memref<12800xf32, #tpu.memory_space<vmem>>[vector<16xi32>], vector<16xf32>,
        %add3A_178 = arith.addf %add3A_164, %gather3A_177 : vector<16xf32>
        %add3A_179 = arith.constant 2 : i32
        %add3A_180 = arith.addi %mul3A_159, %add3A_179 : i32
        %add3A_181 = arith.constant 1 : i32
        %add3A_182 = arith.addi %add3A_180, %add3A_181 : i32
        %add3A_183 = vector.broadcast %add3A_182 : i32 to vector<16xi32>
        %add3A_184 = arith.addi %mul3A_133, %add3A_183 : vector<16xi32>
        %gather3A_185 = tpu.vector_load_idx %arg8[%add3A_184] : memref<12800xf32, #tpu.memory_space<vmem>>[vector<16xi32>], vector<16xf32>,
        %add3A_186 = arith.addf %add3A_172, %gather3A_185 : vector<16xf32>
        %add3A_187 = arith.constant 4 : i32
        %add3A_188 = arith.addi %mul3A_159, %add3A_187 : i32
        %add3A_189 = vector.broadcast %add3A_188 : i32 to vector<16xi32>
        %add3A_190 = arith.addi %mul3A_133, %add3A_189 : vector<16xi32>
        %gather3A_191 = tpu.vector_load_idx %arg8[%add3A_190] : memref<12800xf32, #tpu.memory_space<vmem>>[vector<16xi32>], vector<16xf32>,
        %add3A_192 = arith.addf %add3A_178, %gather3A_191 : vector<16xf32>
        %add3A_193 = arith.constant 4 : i32
        %add3A_194 = arith.addi %mul3A_159, %add3A_193 : i32
        %add3A_195 = arith.constant 1 : i32
        %add3A_196 = arith.addi %add3A_194, %add3A_195 : i32
        %add3A_197 = vector.broadcast %add3A_196 : i32 to vector<16xi32>
        %add3A_198 = arith.addi %mul3A_133, %add3A_197 : vector<16xi32>
        %gather3A_199 = tpu.vector_load_idx %arg8[%add3A_198] : memref<12800xf32, #tpu.memory_space<vmem>>[vector<16xi32>], vector<16xf32>,
        %add3A_200 = arith.addf %add3A_186, %gather3A_199 : vector<16xf32>
        %add3A_201 = arith.constant 6 : i32
        %add3A_202 = arith.addi %mul3A_159, %add3A_201 : i32
        %add3A_203 = vector.broadcast %add3A_202 : i32 to vector<16xi32>
        %add3A_204 = arith.addi %mul3A_133, %add3A_203 : vector<16xi32>
        %gather3A_205 = tpu.vector_load_idx %arg8[%add3A_204] : memref<12800xf32, #tpu.memory_space<vmem>>[vector<16xi32>], vector<16xf32>,
        %add3A_206 = arith.addf %add3A_192, %gather3A_205 : vector<16xf32>
        %add3A_207 = arith.constant 6 : i32
        %add3A_208 = arith.addi %mul3A_159, %add3A_207 : i32
        %add3A_209 = arith.constant 1 : i32
        %add3A_210 = arith.addi %add3A_208, %add3A_209 : i32
        %add3A_211 = vector.broadcast %add3A_210 : i32 to vector<16xi32>
        %add3A_212 = arith.addi %mul3A_133, %add3A_211 : vector<16xi32>
        %gather3A_213 = tpu.vector_load_idx %arg8[%add3A_212] : memref<12800xf32, #tpu.memory_space<vmem>>[vector<16xi32>], vector<16xf32>,
        %add3A_214 = arith.addf %add3A_200, %gather3A_213 : vector<16xf32>
        scf.yield %add3A_206, %add3A_214 : vector<16xf32>, vector<16xf32>
      }
      %scan3A_140 = arith.constant 25 : i32
      %add3A_141 = arith.addf %scan3A_139#0, %scan3A_139#1 : vector<16xf32>
      %mul3A_142 = arith.mulf %add3A_141, %get3A_3 : vector<16xf32>
      %add3A_143 = arith.addf %mul3A_142, %get3A_5 : vector<16xf32>
      %ge3A = arith.cmpf oge, %add3A_143, %get3A_7 : vector<16xf32>
      %jit3A = arith.constant 1.000000e+00 : f32
      %jit3A_144 = arith.constant 0.000000e+00 : f32
      %broadcast_in_dim3A_145 = vector.broadcast %jit3A : f32 to vector<16xf32>
      %broadcast_in_dim3A_146 = vector.broadcast %jit3A_144 : f32 to vector<16xf32>
      %select_n3A = arith.select %ge3A, %broadcast_in_dim3A_145, %broadcast_in_dim3A_146 : vector<16xi1>, vector<16xf32>
      %mul3A_147 = arith.constant 16 : i32
      %mul3A_148 = arith.muli %scan3A_125, %mul3A_147 : i32
      %add3A_149 = arith.constant 128 : i32
      %add3A_150 = arith.addi %add3A_149, %mul3A_148 : i32
      %swap3A = arith.index_cast %add3A_150 : i32 to index
      %swap3A_151 = tpu.vector_load %arg9[%swap3A] {strides = array<i32>} : memref<512xf32, #tpu.memory_space<vmem>>, vector<16xf32>,
      tpu.vector_store %arg9[%swap3A], %add3A_143 {strides = array<i32>} : memref<512xf32, #tpu.memory_space<vmem>>, vector<16xf32>,
      %swap3A_152 = arith.index_cast %add3A_150 : i32 to index
      %swap3A_153 = tpu.vector_load %arg10[%swap3A_152] {strides = array<i32>} : memref<512xf32, #tpu.memory_space<vmem>>, vector<16xf32>,
      tpu.vector_store %arg10[%swap3A_152], %select_n3A {strides = array<i32>} : memref<512xf32, #tpu.memory_space<vmem>>, vector<16xf32>,
      %scan3A_154 = arith.constant 0 : i32
      scf.yield %scan3A_154 : i32
    }
    %scan3A_49 = arith.constant 4 : i32
    %add3A_50 = arith.constant 192 : i32
    %add3A_51 = arith.addi %mul3A_2, %add3A_50 : i32
    %mul3A_52 = arith.constant 200 : i32
    %mul3A_53 = arith.muli %add3A_51, %mul3A_52 : i32
    "tpu.region"() ({
      %run_scoped3A = tpu.sem_alloc : memref<!tpu.dma_semaphore, #tpu.memory_space<semaphore_mem>>
      %dma_start3A_125 = tpu.memref_slice %arg2[%mul3A_53] : memref<3276800xi32, #tpu.memory_space<hbm>> -> memref<12800xi32, #tpu.memory_space<hbm>>
      %dma_start3A_126 = tpu.memref_slice %arg2[%mul3A_53] : memref<3276800xi32, #tpu.memory_space<hbm>> -> memref<12800xi32, #tpu.memory_space<hbm>>
      tpu.enqueue_dma source(%dma_start3A_126 : memref<12800xi32, #tpu.memory_space<hbm>>) target(%arg7 : memref<12800xi32, #tpu.memory_space<vmem>>) target_semaphore(%run_scoped3A : memref<!tpu.dma_semaphore, #tpu.memory_space<semaphore_mem>>)
      %dma_wait3A_127 = tpu.memref_slice %arg2[%mul3A_53] : memref<3276800xi32, #tpu.memory_space<hbm>> -> memref<12800xi32, #tpu.memory_space<hbm>>
      %dma_wait3A_128 = tpu.memref_slice %arg2[%mul3A_53] : memref<3276800xi32, #tpu.memory_space<hbm>> -> memref<12800xi32, #tpu.memory_space<hbm>>
      tpu.wait_dma2 semaphore(%run_scoped3A : memref<!tpu.dma_semaphore, #tpu.memory_space<semaphore_mem>>) src(%dma_wait3A_128 : memref<12800xi32, #tpu.memory_space<hbm>>) dst(%arg7 : memref<12800xi32, #tpu.memory_space<vmem>>)
      tpu.yield
    }) : () -> ()
    %dma_start3A_54 = arith.constant 0 : i32
    %dma_start3A_55 = tpu.memref_slice %arg3[%dma_start3A_54] : memref<1000001xf32, #tpu.memory_space<hbm>> -> memref<1000001xf32, #tpu.memory_space<hbm>>
    tpu.enqueue_indirect_dma source(%dma_start3A_55 : memref<1000001xf32, #tpu.memory_space<hbm>>) target(%arg8 : memref<12800xf32, #tpu.memory_space<vmem>>) offsets(%arg7 : memref<12800xi32, #tpu.memory_space<vmem>>) semaphore(%arg12 : memref<!tpu.dma_semaphore, #tpu.memory_space<semaphore_mem>>)
    %dma_wait3A_56 = arith.constant 0 : i32
    %dma_wait3A_57 = tpu.memref_slice %arg3[%dma_wait3A_56] : memref<1000001xf32, #tpu.memory_space<hbm>> -> memref<1000001xf32, #tpu.memory_space<hbm>>
    tpu.wait_indirect_dma semaphore(%arg12 : memref<!tpu.dma_semaphore, #tpu.memory_space<semaphore_mem>>) src(%dma_wait3A_57 : memref<1000001xf32, #tpu.memory_space<hbm>>) dst(%arg8 : memref<12800xf32, #tpu.memory_space<vmem>>)
    %scan3A_58 = arith.constant 0 : i32
    %scan3A_59 = arith.constant 0 : i32
    %scan3A_60 = arith.constant 4 : i32
    %scan3A_61 = arith.addi %scan3A_59, %scan3A_60 : i32
    %scan3A_62 = arith.constant 1 : i32
    %scan3A_63 = scf.for %scan3A_125 = %scan3A_59 to %scan3A_61 step %scan3A_62 iter_args(%scan3A_126 = %scan3A_58) -> (i32)  : i32 {
      %mul3A_127 = arith.constant 16 : i32
      %mul3A_128 = arith.muli %scan3A_125, %mul3A_127 : i32
      %add3A_129 = vector.broadcast %mul3A_128 : i32 to vector<16xi32>
      %add3A_130 = arith.addi %add3A_129, %iota3A : vector<16xi32>
      %mul3A_131 = arith.constant 200 : i32
      %mul3A_132 = vector.broadcast %mul3A_131 : i32 to vector<16xi32>
      %mul3A_133 = arith.muli %add3A_130, %mul3A_132 : vector<16xi32>
      %broadcast_in_dim3A = arith.constant 0.000000e+00 : f32
      %broadcast_in_dim3A_134 = vector.broadcast %broadcast_in_dim3A : f32 to vector<16xf32>
      %scan3A_135 = arith.constant 0 : i32
      %scan3A_136 = arith.constant 25 : i32
      %scan3A_137 = arith.addi %scan3A_135, %scan3A_136 : i32
      %scan3A_138 = arith.constant 1 : i32
      %scan3A_139:2 = scf.for %scan3A_155 = %scan3A_135 to %scan3A_137 step %scan3A_138 iter_args(%scan3A_156 = %broadcast_in_dim3A_134, %scan3A_157 = %broadcast_in_dim3A_134) -> (vector<16xf32>, vector<16xf32>)  : i32 {
        %mul3A_158 = arith.constant 8 : i32
        %mul3A_159 = arith.muli %scan3A_155, %mul3A_158 : i32
        %add3A_160 = arith.constant 0 : i32
        %add3A_161 = arith.addi %mul3A_159, %add3A_160 : i32
        %add3A_162 = vector.broadcast %add3A_161 : i32 to vector<16xi32>
        %add3A_163 = arith.addi %mul3A_133, %add3A_162 : vector<16xi32>
        %gather3A = tpu.vector_load_idx %arg8[%add3A_163] : memref<12800xf32, #tpu.memory_space<vmem>>[vector<16xi32>], vector<16xf32>,
        %add3A_164 = arith.addf %scan3A_156, %gather3A : vector<16xf32>
        %add3A_165 = arith.constant 0 : i32
        %add3A_166 = arith.addi %mul3A_159, %add3A_165 : i32
        %add3A_167 = arith.constant 1 : i32
        %add3A_168 = arith.addi %add3A_166, %add3A_167 : i32
        %add3A_169 = vector.broadcast %add3A_168 : i32 to vector<16xi32>
        %add3A_170 = arith.addi %mul3A_133, %add3A_169 : vector<16xi32>
        %gather3A_171 = tpu.vector_load_idx %arg8[%add3A_170] : memref<12800xf32, #tpu.memory_space<vmem>>[vector<16xi32>], vector<16xf32>,
        %add3A_172 = arith.addf %scan3A_157, %gather3A_171 : vector<16xf32>
        %add3A_173 = arith.constant 2 : i32
        %add3A_174 = arith.addi %mul3A_159, %add3A_173 : i32
        %add3A_175 = vector.broadcast %add3A_174 : i32 to vector<16xi32>
        %add3A_176 = arith.addi %mul3A_133, %add3A_175 : vector<16xi32>
        %gather3A_177 = tpu.vector_load_idx %arg8[%add3A_176] : memref<12800xf32, #tpu.memory_space<vmem>>[vector<16xi32>], vector<16xf32>,
        %add3A_178 = arith.addf %add3A_164, %gather3A_177 : vector<16xf32>
        %add3A_179 = arith.constant 2 : i32
        %add3A_180 = arith.addi %mul3A_159, %add3A_179 : i32
        %add3A_181 = arith.constant 1 : i32
        %add3A_182 = arith.addi %add3A_180, %add3A_181 : i32
        %add3A_183 = vector.broadcast %add3A_182 : i32 to vector<16xi32>
        %add3A_184 = arith.addi %mul3A_133, %add3A_183 : vector<16xi32>
        %gather3A_185 = tpu.vector_load_idx %arg8[%add3A_184] : memref<12800xf32, #tpu.memory_space<vmem>>[vector<16xi32>], vector<16xf32>,
        %add3A_186 = arith.addf %add3A_172, %gather3A_185 : vector<16xf32>
        %add3A_187 = arith.constant 4 : i32
        %add3A_188 = arith.addi %mul3A_159, %add3A_187 : i32
        %add3A_189 = vector.broadcast %add3A_188 : i32 to vector<16xi32>
        %add3A_190 = arith.addi %mul3A_133, %add3A_189 : vector<16xi32>
        %gather3A_191 = tpu.vector_load_idx %arg8[%add3A_190] : memref<12800xf32, #tpu.memory_space<vmem>>[vector<16xi32>], vector<16xf32>,
        %add3A_192 = arith.addf %add3A_178, %gather3A_191 : vector<16xf32>
        %add3A_193 = arith.constant 4 : i32
        %add3A_194 = arith.addi %mul3A_159, %add3A_193 : i32
        %add3A_195 = arith.constant 1 : i32
        %add3A_196 = arith.addi %add3A_194, %add3A_195 : i32
        %add3A_197 = vector.broadcast %add3A_196 : i32 to vector<16xi32>
        %add3A_198 = arith.addi %mul3A_133, %add3A_197 : vector<16xi32>
        %gather3A_199 = tpu.vector_load_idx %arg8[%add3A_198] : memref<12800xf32, #tpu.memory_space<vmem>>[vector<16xi32>], vector<16xf32>,
        %add3A_200 = arith.addf %add3A_186, %gather3A_199 : vector<16xf32>
        %add3A_201 = arith.constant 6 : i32
        %add3A_202 = arith.addi %mul3A_159, %add3A_201 : i32
        %add3A_203 = vector.broadcast %add3A_202 : i32 to vector<16xi32>
        %add3A_204 = arith.addi %mul3A_133, %add3A_203 : vector<16xi32>
        %gather3A_205 = tpu.vector_load_idx %arg8[%add3A_204] : memref<12800xf32, #tpu.memory_space<vmem>>[vector<16xi32>], vector<16xf32>,
        %add3A_206 = arith.addf %add3A_192, %gather3A_205 : vector<16xf32>
        %add3A_207 = arith.constant 6 : i32
        %add3A_208 = arith.addi %mul3A_159, %add3A_207 : i32
        %add3A_209 = arith.constant 1 : i32
        %add3A_210 = arith.addi %add3A_208, %add3A_209 : i32
        %add3A_211 = vector.broadcast %add3A_210 : i32 to vector<16xi32>
        %add3A_212 = arith.addi %mul3A_133, %add3A_211 : vector<16xi32>
        %gather3A_213 = tpu.vector_load_idx %arg8[%add3A_212] : memref<12800xf32, #tpu.memory_space<vmem>>[vector<16xi32>], vector<16xf32>,
        %add3A_214 = arith.addf %add3A_200, %gather3A_213 : vector<16xf32>
        scf.yield %add3A_206, %add3A_214 : vector<16xf32>, vector<16xf32>
      }
      %scan3A_140 = arith.constant 25 : i32
      %add3A_141 = arith.addf %scan3A_139#0, %scan3A_139#1 : vector<16xf32>
      %mul3A_142 = arith.mulf %add3A_141, %get3A_3 : vector<16xf32>
      %add3A_143 = arith.addf %mul3A_142, %get3A_5 : vector<16xf32>
      %ge3A = arith.cmpf oge, %add3A_143, %get3A_7 : vector<16xf32>
      %jit3A = arith.constant 1.000000e+00 : f32
      %jit3A_144 = arith.constant 0.000000e+00 : f32
      %broadcast_in_dim3A_145 = vector.broadcast %jit3A : f32 to vector<16xf32>
      %broadcast_in_dim3A_146 = vector.broadcast %jit3A_144 : f32 to vector<16xf32>
      %select_n3A = arith.select %ge3A, %broadcast_in_dim3A_145, %broadcast_in_dim3A_146 : vector<16xi1>, vector<16xf32>
      %mul3A_147 = arith.constant 16 : i32
      %mul3A_148 = arith.muli %scan3A_125, %mul3A_147 : i32
      %add3A_149 = arith.constant 192 : i32
      %add3A_150 = arith.addi %add3A_149, %mul3A_148 : i32
      %swap3A = arith.index_cast %add3A_150 : i32 to index
      %swap3A_151 = tpu.vector_load %arg9[%swap3A] {strides = array<i32>} : memref<512xf32, #tpu.memory_space<vmem>>, vector<16xf32>,
      tpu.vector_store %arg9[%swap3A], %add3A_143 {strides = array<i32>} : memref<512xf32, #tpu.memory_space<vmem>>, vector<16xf32>,
      %swap3A_152 = arith.index_cast %add3A_150 : i32 to index
      %swap3A_153 = tpu.vector_load %arg10[%swap3A_152] {strides = array<i32>} : memref<512xf32, #tpu.memory_space<vmem>>, vector<16xf32>,
      tpu.vector_store %arg10[%swap3A_152], %select_n3A {strides = array<i32>} : memref<512xf32, #tpu.memory_space<vmem>>, vector<16xf32>,
      %scan3A_154 = arith.constant 0 : i32
      scf.yield %scan3A_154 : i32
    }
    %scan3A_64 = arith.constant 4 : i32
    %add3A_65 = arith.constant 256 : i32
    %add3A_66 = arith.addi %mul3A_2, %add3A_65 : i32
    %mul3A_67 = arith.constant 200 : i32
    %mul3A_68 = arith.muli %add3A_66, %mul3A_67 : i32
    "tpu.region"() ({
      %run_scoped3A = tpu.sem_alloc : memref<!tpu.dma_semaphore, #tpu.memory_space<semaphore_mem>>
      %dma_start3A_125 = tpu.memref_slice %arg2[%mul3A_68] : memref<3276800xi32, #tpu.memory_space<hbm>> -> memref<12800xi32, #tpu.memory_space<hbm>>
      %dma_start3A_126 = tpu.memref_slice %arg2[%mul3A_68] : memref<3276800xi32, #tpu.memory_space<hbm>> -> memref<12800xi32, #tpu.memory_space<hbm>>
      tpu.enqueue_dma source(%dma_start3A_126 : memref<12800xi32, #tpu.memory_space<hbm>>) target(%arg7 : memref<12800xi32, #tpu.memory_space<vmem>>) target_semaphore(%run_scoped3A : memref<!tpu.dma_semaphore, #tpu.memory_space<semaphore_mem>>)
      %dma_wait3A_127 = tpu.memref_slice %arg2[%mul3A_68] : memref<3276800xi32, #tpu.memory_space<hbm>> -> memref<12800xi32, #tpu.memory_space<hbm>>
      %dma_wait3A_128 = tpu.memref_slice %arg2[%mul3A_68] : memref<3276800xi32, #tpu.memory_space<hbm>> -> memref<12800xi32, #tpu.memory_space<hbm>>
      tpu.wait_dma2 semaphore(%run_scoped3A : memref<!tpu.dma_semaphore, #tpu.memory_space<semaphore_mem>>) src(%dma_wait3A_128 : memref<12800xi32, #tpu.memory_space<hbm>>) dst(%arg7 : memref<12800xi32, #tpu.memory_space<vmem>>)
      tpu.yield
    }) : () -> ()
    %dma_start3A_69 = arith.constant 0 : i32
    %dma_start3A_70 = tpu.memref_slice %arg3[%dma_start3A_69] : memref<1000001xf32, #tpu.memory_space<hbm>> -> memref<1000001xf32, #tpu.memory_space<hbm>>
    tpu.enqueue_indirect_dma source(%dma_start3A_70 : memref<1000001xf32, #tpu.memory_space<hbm>>) target(%arg8 : memref<12800xf32, #tpu.memory_space<vmem>>) offsets(%arg7 : memref<12800xi32, #tpu.memory_space<vmem>>) semaphore(%arg12 : memref<!tpu.dma_semaphore, #tpu.memory_space<semaphore_mem>>)
    %dma_wait3A_71 = arith.constant 0 : i32
    %dma_wait3A_72 = tpu.memref_slice %arg3[%dma_wait3A_71] : memref<1000001xf32, #tpu.memory_space<hbm>> -> memref<1000001xf32, #tpu.memory_space<hbm>>
    tpu.wait_indirect_dma semaphore(%arg12 : memref<!tpu.dma_semaphore, #tpu.memory_space<semaphore_mem>>) src(%dma_wait3A_72 : memref<1000001xf32, #tpu.memory_space<hbm>>) dst(%arg8 : memref<12800xf32, #tpu.memory_space<vmem>>)
    %scan3A_73 = arith.constant 0 : i32
    %scan3A_74 = arith.constant 0 : i32
    %scan3A_75 = arith.constant 4 : i32
    %scan3A_76 = arith.addi %scan3A_74, %scan3A_75 : i32
    %scan3A_77 = arith.constant 1 : i32
    %scan3A_78 = scf.for %scan3A_125 = %scan3A_74 to %scan3A_76 step %scan3A_77 iter_args(%scan3A_126 = %scan3A_73) -> (i32)  : i32 {
      %mul3A_127 = arith.constant 16 : i32
      %mul3A_128 = arith.muli %scan3A_125, %mul3A_127 : i32
      %add3A_129 = vector.broadcast %mul3A_128 : i32 to vector<16xi32>
      %add3A_130 = arith.addi %add3A_129, %iota3A : vector<16xi32>
      %mul3A_131 = arith.constant 200 : i32
      %mul3A_132 = vector.broadcast %mul3A_131 : i32 to vector<16xi32>
      %mul3A_133 = arith.muli %add3A_130, %mul3A_132 : vector<16xi32>
      %broadcast_in_dim3A = arith.constant 0.000000e+00 : f32
      %broadcast_in_dim3A_134 = vector.broadcast %broadcast_in_dim3A : f32 to vector<16xf32>
      %scan3A_135 = arith.constant 0 : i32
      %scan3A_136 = arith.constant 25 : i32
      %scan3A_137 = arith.addi %scan3A_135, %scan3A_136 : i32
      %scan3A_138 = arith.constant 1 : i32
      %scan3A_139:2 = scf.for %scan3A_155 = %scan3A_135 to %scan3A_137 step %scan3A_138 iter_args(%scan3A_156 = %broadcast_in_dim3A_134, %scan3A_157 = %broadcast_in_dim3A_134) -> (vector<16xf32>, vector<16xf32>)  : i32 {
        %mul3A_158 = arith.constant 8 : i32
        %mul3A_159 = arith.muli %scan3A_155, %mul3A_158 : i32
        %add3A_160 = arith.constant 0 : i32
        %add3A_161 = arith.addi %mul3A_159, %add3A_160 : i32
        %add3A_162 = vector.broadcast %add3A_161 : i32 to vector<16xi32>
        %add3A_163 = arith.addi %mul3A_133, %add3A_162 : vector<16xi32>
        %gather3A = tpu.vector_load_idx %arg8[%add3A_163] : memref<12800xf32, #tpu.memory_space<vmem>>[vector<16xi32>], vector<16xf32>,
        %add3A_164 = arith.addf %scan3A_156, %gather3A : vector<16xf32>
        %add3A_165 = arith.constant 0 : i32
        %add3A_166 = arith.addi %mul3A_159, %add3A_165 : i32
        %add3A_167 = arith.constant 1 : i32
        %add3A_168 = arith.addi %add3A_166, %add3A_167 : i32
        %add3A_169 = vector.broadcast %add3A_168 : i32 to vector<16xi32>
        %add3A_170 = arith.addi %mul3A_133, %add3A_169 : vector<16xi32>
        %gather3A_171 = tpu.vector_load_idx %arg8[%add3A_170] : memref<12800xf32, #tpu.memory_space<vmem>>[vector<16xi32>], vector<16xf32>,
        %add3A_172 = arith.addf %scan3A_157, %gather3A_171 : vector<16xf32>
        %add3A_173 = arith.constant 2 : i32
        %add3A_174 = arith.addi %mul3A_159, %add3A_173 : i32
        %add3A_175 = vector.broadcast %add3A_174 : i32 to vector<16xi32>
        %add3A_176 = arith.addi %mul3A_133, %add3A_175 : vector<16xi32>
        %gather3A_177 = tpu.vector_load_idx %arg8[%add3A_176] : memref<12800xf32, #tpu.memory_space<vmem>>[vector<16xi32>], vector<16xf32>,
        %add3A_178 = arith.addf %add3A_164, %gather3A_177 : vector<16xf32>
        %add3A_179 = arith.constant 2 : i32
        %add3A_180 = arith.addi %mul3A_159, %add3A_179 : i32
        %add3A_181 = arith.constant 1 : i32
        %add3A_182 = arith.addi %add3A_180, %add3A_181 : i32
        %add3A_183 = vector.broadcast %add3A_182 : i32 to vector<16xi32>
        %add3A_184 = arith.addi %mul3A_133, %add3A_183 : vector<16xi32>
        %gather3A_185 = tpu.vector_load_idx %arg8[%add3A_184] : memref<12800xf32, #tpu.memory_space<vmem>>[vector<16xi32>], vector<16xf32>,
        %add3A_186 = arith.addf %add3A_172, %gather3A_185 : vector<16xf32>
        %add3A_187 = arith.constant 4 : i32
        %add3A_188 = arith.addi %mul3A_159, %add3A_187 : i32
        %add3A_189 = vector.broadcast %add3A_188 : i32 to vector<16xi32>
        %add3A_190 = arith.addi %mul3A_133, %add3A_189 : vector<16xi32>
        %gather3A_191 = tpu.vector_load_idx %arg8[%add3A_190] : memref<12800xf32, #tpu.memory_space<vmem>>[vector<16xi32>], vector<16xf32>,
        %add3A_192 = arith.addf %add3A_178, %gather3A_191 : vector<16xf32>
        %add3A_193 = arith.constant 4 : i32
        %add3A_194 = arith.addi %mul3A_159, %add3A_193 : i32
        %add3A_195 = arith.constant 1 : i32
        %add3A_196 = arith.addi %add3A_194, %add3A_195 : i32
        %add3A_197 = vector.broadcast %add3A_196 : i32 to vector<16xi32>
        %add3A_198 = arith.addi %mul3A_133, %add3A_197 : vector<16xi32>
        %gather3A_199 = tpu.vector_load_idx %arg8[%add3A_198] : memref<12800xf32, #tpu.memory_space<vmem>>[vector<16xi32>], vector<16xf32>,
        %add3A_200 = arith.addf %add3A_186, %gather3A_199 : vector<16xf32>
        %add3A_201 = arith.constant 6 : i32
        %add3A_202 = arith.addi %mul3A_159, %add3A_201 : i32
        %add3A_203 = vector.broadcast %add3A_202 : i32 to vector<16xi32>
        %add3A_204 = arith.addi %mul3A_133, %add3A_203 : vector<16xi32>
        %gather3A_205 = tpu.vector_load_idx %arg8[%add3A_204] : memref<12800xf32, #tpu.memory_space<vmem>>[vector<16xi32>], vector<16xf32>,
        %add3A_206 = arith.addf %add3A_192, %gather3A_205 : vector<16xf32>
        %add3A_207 = arith.constant 6 : i32
        %add3A_208 = arith.addi %mul3A_159, %add3A_207 : i32
        %add3A_209 = arith.constant 1 : i32
        %add3A_210 = arith.addi %add3A_208, %add3A_209 : i32
        %add3A_211 = vector.broadcast %add3A_210 : i32 to vector<16xi32>
        %add3A_212 = arith.addi %mul3A_133, %add3A_211 : vector<16xi32>
        %gather3A_213 = tpu.vector_load_idx %arg8[%add3A_212] : memref<12800xf32, #tpu.memory_space<vmem>>[vector<16xi32>], vector<16xf32>,
        %add3A_214 = arith.addf %add3A_200, %gather3A_213 : vector<16xf32>
        scf.yield %add3A_206, %add3A_214 : vector<16xf32>, vector<16xf32>
      }
      %scan3A_140 = arith.constant 25 : i32
      %add3A_141 = arith.addf %scan3A_139#0, %scan3A_139#1 : vector<16xf32>
      %mul3A_142 = arith.mulf %add3A_141, %get3A_3 : vector<16xf32>
      %add3A_143 = arith.addf %mul3A_142, %get3A_5 : vector<16xf32>
      %ge3A = arith.cmpf oge, %add3A_143, %get3A_7 : vector<16xf32>
      %jit3A = arith.constant 1.000000e+00 : f32
      %jit3A_144 = arith.constant 0.000000e+00 : f32
      %broadcast_in_dim3A_145 = vector.broadcast %jit3A : f32 to vector<16xf32>
      %broadcast_in_dim3A_146 = vector.broadcast %jit3A_144 : f32 to vector<16xf32>
      %select_n3A = arith.select %ge3A, %broadcast_in_dim3A_145, %broadcast_in_dim3A_146 : vector<16xi1>, vector<16xf32>
      %mul3A_147 = arith.constant 16 : i32
      %mul3A_148 = arith.muli %scan3A_125, %mul3A_147 : i32
      %add3A_149 = arith.constant 256 : i32
      %add3A_150 = arith.addi %add3A_149, %mul3A_148 : i32
      %swap3A = arith.index_cast %add3A_150 : i32 to index
      %swap3A_151 = tpu.vector_load %arg9[%swap3A] {strides = array<i32>} : memref<512xf32, #tpu.memory_space<vmem>>, vector<16xf32>,
      tpu.vector_store %arg9[%swap3A], %add3A_143 {strides = array<i32>} : memref<512xf32, #tpu.memory_space<vmem>>, vector<16xf32>,
      %swap3A_152 = arith.index_cast %add3A_150 : i32 to index
      %swap3A_153 = tpu.vector_load %arg10[%swap3A_152] {strides = array<i32>} : memref<512xf32, #tpu.memory_space<vmem>>, vector<16xf32>,
      tpu.vector_store %arg10[%swap3A_152], %select_n3A {strides = array<i32>} : memref<512xf32, #tpu.memory_space<vmem>>, vector<16xf32>,
      %scan3A_154 = arith.constant 0 : i32
      scf.yield %scan3A_154 : i32
    }
    %scan3A_79 = arith.constant 4 : i32
    %add3A_80 = arith.constant 320 : i32
    %add3A_81 = arith.addi %mul3A_2, %add3A_80 : i32
    %mul3A_82 = arith.constant 200 : i32
    %mul3A_83 = arith.muli %add3A_81, %mul3A_82 : i32
    "tpu.region"() ({
      %run_scoped3A = tpu.sem_alloc : memref<!tpu.dma_semaphore, #tpu.memory_space<semaphore_mem>>
      %dma_start3A_125 = tpu.memref_slice %arg2[%mul3A_83] : memref<3276800xi32, #tpu.memory_space<hbm>> -> memref<12800xi32, #tpu.memory_space<hbm>>
      %dma_start3A_126 = tpu.memref_slice %arg2[%mul3A_83] : memref<3276800xi32, #tpu.memory_space<hbm>> -> memref<12800xi32, #tpu.memory_space<hbm>>
      tpu.enqueue_dma source(%dma_start3A_126 : memref<12800xi32, #tpu.memory_space<hbm>>) target(%arg7 : memref<12800xi32, #tpu.memory_space<vmem>>) target_semaphore(%run_scoped3A : memref<!tpu.dma_semaphore, #tpu.memory_space<semaphore_mem>>)
      %dma_wait3A_127 = tpu.memref_slice %arg2[%mul3A_83] : memref<3276800xi32, #tpu.memory_space<hbm>> -> memref<12800xi32, #tpu.memory_space<hbm>>
      %dma_wait3A_128 = tpu.memref_slice %arg2[%mul3A_83] : memref<3276800xi32, #tpu.memory_space<hbm>> -> memref<12800xi32, #tpu.memory_space<hbm>>
      tpu.wait_dma2 semaphore(%run_scoped3A : memref<!tpu.dma_semaphore, #tpu.memory_space<semaphore_mem>>) src(%dma_wait3A_128 : memref<12800xi32, #tpu.memory_space<hbm>>) dst(%arg7 : memref<12800xi32, #tpu.memory_space<vmem>>)
      tpu.yield
    }) : () -> ()
    %dma_start3A_84 = arith.constant 0 : i32
    %dma_start3A_85 = tpu.memref_slice %arg3[%dma_start3A_84] : memref<1000001xf32, #tpu.memory_space<hbm>> -> memref<1000001xf32, #tpu.memory_space<hbm>>
    tpu.enqueue_indirect_dma source(%dma_start3A_85 : memref<1000001xf32, #tpu.memory_space<hbm>>) target(%arg8 : memref<12800xf32, #tpu.memory_space<vmem>>) offsets(%arg7 : memref<12800xi32, #tpu.memory_space<vmem>>) semaphore(%arg12 : memref<!tpu.dma_semaphore, #tpu.memory_space<semaphore_mem>>)
    %dma_wait3A_86 = arith.constant 0 : i32
    %dma_wait3A_87 = tpu.memref_slice %arg3[%dma_wait3A_86] : memref<1000001xf32, #tpu.memory_space<hbm>> -> memref<1000001xf32, #tpu.memory_space<hbm>>
    tpu.wait_indirect_dma semaphore(%arg12 : memref<!tpu.dma_semaphore, #tpu.memory_space<semaphore_mem>>) src(%dma_wait3A_87 : memref<1000001xf32, #tpu.memory_space<hbm>>) dst(%arg8 : memref<12800xf32, #tpu.memory_space<vmem>>)
    %scan3A_88 = arith.constant 0 : i32
    %scan3A_89 = arith.constant 0 : i32
    %scan3A_90 = arith.constant 4 : i32
    %scan3A_91 = arith.addi %scan3A_89, %scan3A_90 : i32
    %scan3A_92 = arith.constant 1 : i32
    %scan3A_93 = scf.for %scan3A_125 = %scan3A_89 to %scan3A_91 step %scan3A_92 iter_args(%scan3A_126 = %scan3A_88) -> (i32)  : i32 {
      %mul3A_127 = arith.constant 16 : i32
      %mul3A_128 = arith.muli %scan3A_125, %mul3A_127 : i32
      %add3A_129 = vector.broadcast %mul3A_128 : i32 to vector<16xi32>
      %add3A_130 = arith.addi %add3A_129, %iota3A : vector<16xi32>
      %mul3A_131 = arith.constant 200 : i32
      %mul3A_132 = vector.broadcast %mul3A_131 : i32 to vector<16xi32>
      %mul3A_133 = arith.muli %add3A_130, %mul3A_132 : vector<16xi32>
      %broadcast_in_dim3A = arith.constant 0.000000e+00 : f32
      %broadcast_in_dim3A_134 = vector.broadcast %broadcast_in_dim3A : f32 to vector<16xf32>
      %scan3A_135 = arith.constant 0 : i32
      %scan3A_136 = arith.constant 25 : i32
      %scan3A_137 = arith.addi %scan3A_135, %scan3A_136 : i32
      %scan3A_138 = arith.constant 1 : i32
      %scan3A_139:2 = scf.for %scan3A_155 = %scan3A_135 to %scan3A_137 step %scan3A_138 iter_args(%scan3A_156 = %broadcast_in_dim3A_134, %scan3A_157 = %broadcast_in_dim3A_134) -> (vector<16xf32>, vector<16xf32>)  : i32 {
        %mul3A_158 = arith.constant 8 : i32
        %mul3A_159 = arith.muli %scan3A_155, %mul3A_158 : i32
        %add3A_160 = arith.constant 0 : i32
        %add3A_161 = arith.addi %mul3A_159, %add3A_160 : i32
        %add3A_162 = vector.broadcast %add3A_161 : i32 to vector<16xi32>
        %add3A_163 = arith.addi %mul3A_133, %add3A_162 : vector<16xi32>
        %gather3A = tpu.vector_load_idx %arg8[%add3A_163] : memref<12800xf32, #tpu.memory_space<vmem>>[vector<16xi32>], vector<16xf32>,
        %add3A_164 = arith.addf %scan3A_156, %gather3A : vector<16xf32>
        %add3A_165 = arith.constant 0 : i32
        %add3A_166 = arith.addi %mul3A_159, %add3A_165 : i32
        %add3A_167 = arith.constant 1 : i32
        %add3A_168 = arith.addi %add3A_166, %add3A_167 : i32
        %add3A_169 = vector.broadcast %add3A_168 : i32 to vector<16xi32>
        %add3A_170 = arith.addi %mul3A_133, %add3A_169 : vector<16xi32>
        %gather3A_171 = tpu.vector_load_idx %arg8[%add3A_170] : memref<12800xf32, #tpu.memory_space<vmem>>[vector<16xi32>], vector<16xf32>,
        %add3A_172 = arith.addf %scan3A_157, %gather3A_171 : vector<16xf32>
        %add3A_173 = arith.constant 2 : i32
        %add3A_174 = arith.addi %mul3A_159, %add3A_173 : i32
        %add3A_175 = vector.broadcast %add3A_174 : i32 to vector<16xi32>
        %add3A_176 = arith.addi %mul3A_133, %add3A_175 : vector<16xi32>
        %gather3A_177 = tpu.vector_load_idx %arg8[%add3A_176] : memref<12800xf32, #tpu.memory_space<vmem>>[vector<16xi32>], vector<16xf32>,
        %add3A_178 = arith.addf %add3A_164, %gather3A_177 : vector<16xf32>
        %add3A_179 = arith.constant 2 : i32
        %add3A_180 = arith.addi %mul3A_159, %add3A_179 : i32
        %add3A_181 = arith.constant 1 : i32
        %add3A_182 = arith.addi %add3A_180, %add3A_181 : i32
        %add3A_183 = vector.broadcast %add3A_182 : i32 to vector<16xi32>
        %add3A_184 = arith.addi %mul3A_133, %add3A_183 : vector<16xi32>
        %gather3A_185 = tpu.vector_load_idx %arg8[%add3A_184] : memref<12800xf32, #tpu.memory_space<vmem>>[vector<16xi32>], vector<16xf32>,
        %add3A_186 = arith.addf %add3A_172, %gather3A_185 : vector<16xf32>
        %add3A_187 = arith.constant 4 : i32
        %add3A_188 = arith.addi %mul3A_159, %add3A_187 : i32
        %add3A_189 = vector.broadcast %add3A_188 : i32 to vector<16xi32>
        %add3A_190 = arith.addi %mul3A_133, %add3A_189 : vector<16xi32>
        %gather3A_191 = tpu.vector_load_idx %arg8[%add3A_190] : memref<12800xf32, #tpu.memory_space<vmem>>[vector<16xi32>], vector<16xf32>,
        %add3A_192 = arith.addf %add3A_178, %gather3A_191 : vector<16xf32>
        %add3A_193 = arith.constant 4 : i32
        %add3A_194 = arith.addi %mul3A_159, %add3A_193 : i32
        %add3A_195 = arith.constant 1 : i32
        %add3A_196 = arith.addi %add3A_194, %add3A_195 : i32
        %add3A_197 = vector.broadcast %add3A_196 : i32 to vector<16xi32>
        %add3A_198 = arith.addi %mul3A_133, %add3A_197 : vector<16xi32>
        %gather3A_199 = tpu.vector_load_idx %arg8[%add3A_198] : memref<12800xf32, #tpu.memory_space<vmem>>[vector<16xi32>], vector<16xf32>,
        %add3A_200 = arith.addf %add3A_186, %gather3A_199 : vector<16xf32>
        %add3A_201 = arith.constant 6 : i32
        %add3A_202 = arith.addi %mul3A_159, %add3A_201 : i32
        %add3A_203 = vector.broadcast %add3A_202 : i32 to vector<16xi32>
        %add3A_204 = arith.addi %mul3A_133, %add3A_203 : vector<16xi32>
        %gather3A_205 = tpu.vector_load_idx %arg8[%add3A_204] : memref<12800xf32, #tpu.memory_space<vmem>>[vector<16xi32>], vector<16xf32>,
        %add3A_206 = arith.addf %add3A_192, %gather3A_205 : vector<16xf32>
        %add3A_207 = arith.constant 6 : i32
        %add3A_208 = arith.addi %mul3A_159, %add3A_207 : i32
        %add3A_209 = arith.constant 1 : i32
        %add3A_210 = arith.addi %add3A_208, %add3A_209 : i32
        %add3A_211 = vector.broadcast %add3A_210 : i32 to vector<16xi32>
        %add3A_212 = arith.addi %mul3A_133, %add3A_211 : vector<16xi32>
        %gather3A_213 = tpu.vector_load_idx %arg8[%add3A_212] : memref<12800xf32, #tpu.memory_space<vmem>>[vector<16xi32>], vector<16xf32>,
        %add3A_214 = arith.addf %add3A_200, %gather3A_213 : vector<16xf32>
        scf.yield %add3A_206, %add3A_214 : vector<16xf32>, vector<16xf32>
      }
      %scan3A_140 = arith.constant 25 : i32
      %add3A_141 = arith.addf %scan3A_139#0, %scan3A_139#1 : vector<16xf32>
      %mul3A_142 = arith.mulf %add3A_141, %get3A_3 : vector<16xf32>
      %add3A_143 = arith.addf %mul3A_142, %get3A_5 : vector<16xf32>
      %ge3A = arith.cmpf oge, %add3A_143, %get3A_7 : vector<16xf32>
      %jit3A = arith.constant 1.000000e+00 : f32
      %jit3A_144 = arith.constant 0.000000e+00 : f32
      %broadcast_in_dim3A_145 = vector.broadcast %jit3A : f32 to vector<16xf32>
      %broadcast_in_dim3A_146 = vector.broadcast %jit3A_144 : f32 to vector<16xf32>
      %select_n3A = arith.select %ge3A, %broadcast_in_dim3A_145, %broadcast_in_dim3A_146 : vector<16xi1>, vector<16xf32>
      %mul3A_147 = arith.constant 16 : i32
      %mul3A_148 = arith.muli %scan3A_125, %mul3A_147 : i32
      %add3A_149 = arith.constant 320 : i32
      %add3A_150 = arith.addi %add3A_149, %mul3A_148 : i32
      %swap3A = arith.index_cast %add3A_150 : i32 to index
      %swap3A_151 = tpu.vector_load %arg9[%swap3A] {strides = array<i32>} : memref<512xf32, #tpu.memory_space<vmem>>, vector<16xf32>,
      tpu.vector_store %arg9[%swap3A], %add3A_143 {strides = array<i32>} : memref<512xf32, #tpu.memory_space<vmem>>, vector<16xf32>,
      %swap3A_152 = arith.index_cast %add3A_150 : i32 to index
      %swap3A_153 = tpu.vector_load %arg10[%swap3A_152] {strides = array<i32>} : memref<512xf32, #tpu.memory_space<vmem>>, vector<16xf32>,
      tpu.vector_store %arg10[%swap3A_152], %select_n3A {strides = array<i32>} : memref<512xf32, #tpu.memory_space<vmem>>, vector<16xf32>,
      %scan3A_154 = arith.constant 0 : i32
      scf.yield %scan3A_154 : i32
    }
    %scan3A_94 = arith.constant 4 : i32
    %add3A_95 = arith.constant 384 : i32
    %add3A_96 = arith.addi %mul3A_2, %add3A_95 : i32
    %mul3A_97 = arith.constant 200 : i32
    %mul3A_98 = arith.muli %add3A_96, %mul3A_97 : i32
    "tpu.region"() ({
      %run_scoped3A = tpu.sem_alloc : memref<!tpu.dma_semaphore, #tpu.memory_space<semaphore_mem>>
      %dma_start3A_125 = tpu.memref_slice %arg2[%mul3A_98] : memref<3276800xi32, #tpu.memory_space<hbm>> -> memref<12800xi32, #tpu.memory_space<hbm>>
      %dma_start3A_126 = tpu.memref_slice %arg2[%mul3A_98] : memref<3276800xi32, #tpu.memory_space<hbm>> -> memref<12800xi32, #tpu.memory_space<hbm>>
      tpu.enqueue_dma source(%dma_start3A_126 : memref<12800xi32, #tpu.memory_space<hbm>>) target(%arg7 : memref<12800xi32, #tpu.memory_space<vmem>>) target_semaphore(%run_scoped3A : memref<!tpu.dma_semaphore, #tpu.memory_space<semaphore_mem>>)
      %dma_wait3A_127 = tpu.memref_slice %arg2[%mul3A_98] : memref<3276800xi32, #tpu.memory_space<hbm>> -> memref<12800xi32, #tpu.memory_space<hbm>>
      %dma_wait3A_128 = tpu.memref_slice %arg2[%mul3A_98] : memref<3276800xi32, #tpu.memory_space<hbm>> -> memref<12800xi32, #tpu.memory_space<hbm>>
      tpu.wait_dma2 semaphore(%run_scoped3A : memref<!tpu.dma_semaphore, #tpu.memory_space<semaphore_mem>>) src(%dma_wait3A_128 : memref<12800xi32, #tpu.memory_space<hbm>>) dst(%arg7 : memref<12800xi32, #tpu.memory_space<vmem>>)
      tpu.yield
    }) : () -> ()
    %dma_start3A_99 = arith.constant 0 : i32
    %dma_start3A_100 = tpu.memref_slice %arg3[%dma_start3A_99] : memref<1000001xf32, #tpu.memory_space<hbm>> -> memref<1000001xf32, #tpu.memory_space<hbm>>
    tpu.enqueue_indirect_dma source(%dma_start3A_100 : memref<1000001xf32, #tpu.memory_space<hbm>>) target(%arg8 : memref<12800xf32, #tpu.memory_space<vmem>>) offsets(%arg7 : memref<12800xi32, #tpu.memory_space<vmem>>) semaphore(%arg12 : memref<!tpu.dma_semaphore, #tpu.memory_space<semaphore_mem>>)
    %dma_wait3A_101 = arith.constant 0 : i32
    %dma_wait3A_102 = tpu.memref_slice %arg3[%dma_wait3A_101] : memref<1000001xf32, #tpu.memory_space<hbm>> -> memref<1000001xf32, #tpu.memory_space<hbm>>
    tpu.wait_indirect_dma semaphore(%arg12 : memref<!tpu.dma_semaphore, #tpu.memory_space<semaphore_mem>>) src(%dma_wait3A_102 : memref<1000001xf32, #tpu.memory_space<hbm>>) dst(%arg8 : memref<12800xf32, #tpu.memory_space<vmem>>)
    %scan3A_103 = arith.constant 0 : i32
    %scan3A_104 = arith.constant 0 : i32
    %scan3A_105 = arith.constant 4 : i32
    %scan3A_106 = arith.addi %scan3A_104, %scan3A_105 : i32
    %scan3A_107 = arith.constant 1 : i32
    %scan3A_108 = scf.for %scan3A_125 = %scan3A_104 to %scan3A_106 step %scan3A_107 iter_args(%scan3A_126 = %scan3A_103) -> (i32)  : i32 {
      %mul3A_127 = arith.constant 16 : i32
      %mul3A_128 = arith.muli %scan3A_125, %mul3A_127 : i32
      %add3A_129 = vector.broadcast %mul3A_128 : i32 to vector<16xi32>
      %add3A_130 = arith.addi %add3A_129, %iota3A : vector<16xi32>
      %mul3A_131 = arith.constant 200 : i32
      %mul3A_132 = vector.broadcast %mul3A_131 : i32 to vector<16xi32>
      %mul3A_133 = arith.muli %add3A_130, %mul3A_132 : vector<16xi32>
      %broadcast_in_dim3A = arith.constant 0.000000e+00 : f32
      %broadcast_in_dim3A_134 = vector.broadcast %broadcast_in_dim3A : f32 to vector<16xf32>
      %scan3A_135 = arith.constant 0 : i32
      %scan3A_136 = arith.constant 25 : i32
      %scan3A_137 = arith.addi %scan3A_135, %scan3A_136 : i32
      %scan3A_138 = arith.constant 1 : i32
      %scan3A_139:2 = scf.for %scan3A_155 = %scan3A_135 to %scan3A_137 step %scan3A_138 iter_args(%scan3A_156 = %broadcast_in_dim3A_134, %scan3A_157 = %broadcast_in_dim3A_134) -> (vector<16xf32>, vector<16xf32>)  : i32 {
        %mul3A_158 = arith.constant 8 : i32
        %mul3A_159 = arith.muli %scan3A_155, %mul3A_158 : i32
        %add3A_160 = arith.constant 0 : i32
        %add3A_161 = arith.addi %mul3A_159, %add3A_160 : i32
        %add3A_162 = vector.broadcast %add3A_161 : i32 to vector<16xi32>
        %add3A_163 = arith.addi %mul3A_133, %add3A_162 : vector<16xi32>
        %gather3A = tpu.vector_load_idx %arg8[%add3A_163] : memref<12800xf32, #tpu.memory_space<vmem>>[vector<16xi32>], vector<16xf32>,
        %add3A_164 = arith.addf %scan3A_156, %gather3A : vector<16xf32>
        %add3A_165 = arith.constant 0 : i32
        %add3A_166 = arith.addi %mul3A_159, %add3A_165 : i32
        %add3A_167 = arith.constant 1 : i32
        %add3A_168 = arith.addi %add3A_166, %add3A_167 : i32
        %add3A_169 = vector.broadcast %add3A_168 : i32 to vector<16xi32>
        %add3A_170 = arith.addi %mul3A_133, %add3A_169 : vector<16xi32>
        %gather3A_171 = tpu.vector_load_idx %arg8[%add3A_170] : memref<12800xf32, #tpu.memory_space<vmem>>[vector<16xi32>], vector<16xf32>,
        %add3A_172 = arith.addf %scan3A_157, %gather3A_171 : vector<16xf32>
        %add3A_173 = arith.constant 2 : i32
        %add3A_174 = arith.addi %mul3A_159, %add3A_173 : i32
        %add3A_175 = vector.broadcast %add3A_174 : i32 to vector<16xi32>
        %add3A_176 = arith.addi %mul3A_133, %add3A_175 : vector<16xi32>
        %gather3A_177 = tpu.vector_load_idx %arg8[%add3A_176] : memref<12800xf32, #tpu.memory_space<vmem>>[vector<16xi32>], vector<16xf32>,
        %add3A_178 = arith.addf %add3A_164, %gather3A_177 : vector<16xf32>
        %add3A_179 = arith.constant 2 : i32
        %add3A_180 = arith.addi %mul3A_159, %add3A_179 : i32
        %add3A_181 = arith.constant 1 : i32
        %add3A_182 = arith.addi %add3A_180, %add3A_181 : i32
        %add3A_183 = vector.broadcast %add3A_182 : i32 to vector<16xi32>
        %add3A_184 = arith.addi %mul3A_133, %add3A_183 : vector<16xi32>
        %gather3A_185 = tpu.vector_load_idx %arg8[%add3A_184] : memref<12800xf32, #tpu.memory_space<vmem>>[vector<16xi32>], vector<16xf32>,
        %add3A_186 = arith.addf %add3A_172, %gather3A_185 : vector<16xf32>
        %add3A_187 = arith.constant 4 : i32
        %add3A_188 = arith.addi %mul3A_159, %add3A_187 : i32
        %add3A_189 = vector.broadcast %add3A_188 : i32 to vector<16xi32>
        %add3A_190 = arith.addi %mul3A_133, %add3A_189 : vector<16xi32>
        %gather3A_191 = tpu.vector_load_idx %arg8[%add3A_190] : memref<12800xf32, #tpu.memory_space<vmem>>[vector<16xi32>], vector<16xf32>,
        %add3A_192 = arith.addf %add3A_178, %gather3A_191 : vector<16xf32>
        %add3A_193 = arith.constant 4 : i32
        %add3A_194 = arith.addi %mul3A_159, %add3A_193 : i32
        %add3A_195 = arith.constant 1 : i32
        %add3A_196 = arith.addi %add3A_194, %add3A_195 : i32
        %add3A_197 = vector.broadcast %add3A_196 : i32 to vector<16xi32>
        %add3A_198 = arith.addi %mul3A_133, %add3A_197 : vector<16xi32>
        %gather3A_199 = tpu.vector_load_idx %arg8[%add3A_198] : memref<12800xf32, #tpu.memory_space<vmem>>[vector<16xi32>], vector<16xf32>,
        %add3A_200 = arith.addf %add3A_186, %gather3A_199 : vector<16xf32>
        %add3A_201 = arith.constant 6 : i32
        %add3A_202 = arith.addi %mul3A_159, %add3A_201 : i32
        %add3A_203 = vector.broadcast %add3A_202 : i32 to vector<16xi32>
        %add3A_204 = arith.addi %mul3A_133, %add3A_203 : vector<16xi32>
        %gather3A_205 = tpu.vector_load_idx %arg8[%add3A_204] : memref<12800xf32, #tpu.memory_space<vmem>>[vector<16xi32>], vector<16xf32>,
        %add3A_206 = arith.addf %add3A_192, %gather3A_205 : vector<16xf32>
        %add3A_207 = arith.constant 6 : i32
        %add3A_208 = arith.addi %mul3A_159, %add3A_207 : i32
        %add3A_209 = arith.constant 1 : i32
        %add3A_210 = arith.addi %add3A_208, %add3A_209 : i32
        %add3A_211 = vector.broadcast %add3A_210 : i32 to vector<16xi32>
        %add3A_212 = arith.addi %mul3A_133, %add3A_211 : vector<16xi32>
        %gather3A_213 = tpu.vector_load_idx %arg8[%add3A_212] : memref<12800xf32, #tpu.memory_space<vmem>>[vector<16xi32>], vector<16xf32>,
        %add3A_214 = arith.addf %add3A_200, %gather3A_213 : vector<16xf32>
        scf.yield %add3A_206, %add3A_214 : vector<16xf32>, vector<16xf32>
      }
      %scan3A_140 = arith.constant 25 : i32
      %add3A_141 = arith.addf %scan3A_139#0, %scan3A_139#1 : vector<16xf32>
      %mul3A_142 = arith.mulf %add3A_141, %get3A_3 : vector<16xf32>
      %add3A_143 = arith.addf %mul3A_142, %get3A_5 : vector<16xf32>
      %ge3A = arith.cmpf oge, %add3A_143, %get3A_7 : vector<16xf32>
      %jit3A = arith.constant 1.000000e+00 : f32
      %jit3A_144 = arith.constant 0.000000e+00 : f32
      %broadcast_in_dim3A_145 = vector.broadcast %jit3A : f32 to vector<16xf32>
      %broadcast_in_dim3A_146 = vector.broadcast %jit3A_144 : f32 to vector<16xf32>
      %select_n3A = arith.select %ge3A, %broadcast_in_dim3A_145, %broadcast_in_dim3A_146 : vector<16xi1>, vector<16xf32>
      %mul3A_147 = arith.constant 16 : i32
      %mul3A_148 = arith.muli %scan3A_125, %mul3A_147 : i32
      %add3A_149 = arith.constant 384 : i32
      %add3A_150 = arith.addi %add3A_149, %mul3A_148 : i32
      %swap3A = arith.index_cast %add3A_150 : i32 to index
      %swap3A_151 = tpu.vector_load %arg9[%swap3A] {strides = array<i32>} : memref<512xf32, #tpu.memory_space<vmem>>, vector<16xf32>,
      tpu.vector_store %arg9[%swap3A], %add3A_143 {strides = array<i32>} : memref<512xf32, #tpu.memory_space<vmem>>, vector<16xf32>,
      %swap3A_152 = arith.index_cast %add3A_150 : i32 to index
      %swap3A_153 = tpu.vector_load %arg10[%swap3A_152] {strides = array<i32>} : memref<512xf32, #tpu.memory_space<vmem>>, vector<16xf32>,
      tpu.vector_store %arg10[%swap3A_152], %select_n3A {strides = array<i32>} : memref<512xf32, #tpu.memory_space<vmem>>, vector<16xf32>,
      %scan3A_154 = arith.constant 0 : i32
      scf.yield %scan3A_154 : i32
    }
    %scan3A_109 = arith.constant 4 : i32
    %add3A_110 = arith.constant 448 : i32
    %add3A_111 = arith.addi %mul3A_2, %add3A_110 : i32
    %mul3A_112 = arith.constant 200 : i32
    %mul3A_113 = arith.muli %add3A_111, %mul3A_112 : i32
    "tpu.region"() ({
      %run_scoped3A = tpu.sem_alloc : memref<!tpu.dma_semaphore, #tpu.memory_space<semaphore_mem>>
      %dma_start3A_125 = tpu.memref_slice %arg2[%mul3A_113] : memref<3276800xi32, #tpu.memory_space<hbm>> -> memref<12800xi32, #tpu.memory_space<hbm>>
      %dma_start3A_126 = tpu.memref_slice %arg2[%mul3A_113] : memref<3276800xi32, #tpu.memory_space<hbm>> -> memref<12800xi32, #tpu.memory_space<hbm>>
      tpu.enqueue_dma source(%dma_start3A_126 : memref<12800xi32, #tpu.memory_space<hbm>>) target(%arg7 : memref<12800xi32, #tpu.memory_space<vmem>>) target_semaphore(%run_scoped3A : memref<!tpu.dma_semaphore, #tpu.memory_space<semaphore_mem>>)
      %dma_wait3A_127 = tpu.memref_slice %arg2[%mul3A_113] : memref<3276800xi32, #tpu.memory_space<hbm>> -> memref<12800xi32, #tpu.memory_space<hbm>>
      %dma_wait3A_128 = tpu.memref_slice %arg2[%mul3A_113] : memref<3276800xi32, #tpu.memory_space<hbm>> -> memref<12800xi32, #tpu.memory_space<hbm>>
      tpu.wait_dma2 semaphore(%run_scoped3A : memref<!tpu.dma_semaphore, #tpu.memory_space<semaphore_mem>>) src(%dma_wait3A_128 : memref<12800xi32, #tpu.memory_space<hbm>>) dst(%arg7 : memref<12800xi32, #tpu.memory_space<vmem>>)
      tpu.yield
    }) : () -> ()
    %dma_start3A_114 = arith.constant 0 : i32
    %dma_start3A_115 = tpu.memref_slice %arg3[%dma_start3A_114] : memref<1000001xf32, #tpu.memory_space<hbm>> -> memref<1000001xf32, #tpu.memory_space<hbm>>
    tpu.enqueue_indirect_dma source(%dma_start3A_115 : memref<1000001xf32, #tpu.memory_space<hbm>>) target(%arg8 : memref<12800xf32, #tpu.memory_space<vmem>>) offsets(%arg7 : memref<12800xi32, #tpu.memory_space<vmem>>) semaphore(%arg12 : memref<!tpu.dma_semaphore, #tpu.memory_space<semaphore_mem>>)
    %dma_wait3A_116 = arith.constant 0 : i32
    %dma_wait3A_117 = tpu.memref_slice %arg3[%dma_wait3A_116] : memref<1000001xf32, #tpu.memory_space<hbm>> -> memref<1000001xf32, #tpu.memory_space<hbm>>
    tpu.wait_indirect_dma semaphore(%arg12 : memref<!tpu.dma_semaphore, #tpu.memory_space<semaphore_mem>>) src(%dma_wait3A_117 : memref<1000001xf32, #tpu.memory_space<hbm>>) dst(%arg8 : memref<12800xf32, #tpu.memory_space<vmem>>)
    %scan3A_118 = arith.constant 0 : i32
    %scan3A_119 = arith.constant 0 : i32
    %scan3A_120 = arith.constant 4 : i32
    %scan3A_121 = arith.addi %scan3A_119, %scan3A_120 : i32
    %scan3A_122 = arith.constant 1 : i32
    %scan3A_123 = scf.for %scan3A_125 = %scan3A_119 to %scan3A_121 step %scan3A_122 iter_args(%scan3A_126 = %scan3A_118) -> (i32)  : i32 {
      %mul3A_127 = arith.constant 16 : i32
      %mul3A_128 = arith.muli %scan3A_125, %mul3A_127 : i32
      %add3A_129 = vector.broadcast %mul3A_128 : i32 to vector<16xi32>
      %add3A_130 = arith.addi %add3A_129, %iota3A : vector<16xi32>
      %mul3A_131 = arith.constant 200 : i32
      %mul3A_132 = vector.broadcast %mul3A_131 : i32 to vector<16xi32>
      %mul3A_133 = arith.muli %add3A_130, %mul3A_132 : vector<16xi32>
      %broadcast_in_dim3A = arith.constant 0.000000e+00 : f32
      %broadcast_in_dim3A_134 = vector.broadcast %broadcast_in_dim3A : f32 to vector<16xf32>
      %scan3A_135 = arith.constant 0 : i32
      %scan3A_136 = arith.constant 25 : i32
      %scan3A_137 = arith.addi %scan3A_135, %scan3A_136 : i32
      %scan3A_138 = arith.constant 1 : i32
      %scan3A_139:2 = scf.for %scan3A_155 = %scan3A_135 to %scan3A_137 step %scan3A_138 iter_args(%scan3A_156 = %broadcast_in_dim3A_134, %scan3A_157 = %broadcast_in_dim3A_134) -> (vector<16xf32>, vector<16xf32>)  : i32 {
        %mul3A_158 = arith.constant 8 : i32
        %mul3A_159 = arith.muli %scan3A_155, %mul3A_158 : i32
        %add3A_160 = arith.constant 0 : i32
        %add3A_161 = arith.addi %mul3A_159, %add3A_160 : i32
        %add3A_162 = vector.broadcast %add3A_161 : i32 to vector<16xi32>
        %add3A_163 = arith.addi %mul3A_133, %add3A_162 : vector<16xi32>
        %gather3A = tpu.vector_load_idx %arg8[%add3A_163] : memref<12800xf32, #tpu.memory_space<vmem>>[vector<16xi32>], vector<16xf32>,
        %add3A_164 = arith.addf %scan3A_156, %gather3A : vector<16xf32>
        %add3A_165 = arith.constant 0 : i32
        %add3A_166 = arith.addi %mul3A_159, %add3A_165 : i32
        %add3A_167 = arith.constant 1 : i32
        %add3A_168 = arith.addi %add3A_166, %add3A_167 : i32
        %add3A_169 = vector.broadcast %add3A_168 : i32 to vector<16xi32>
        %add3A_170 = arith.addi %mul3A_133, %add3A_169 : vector<16xi32>
        %gather3A_171 = tpu.vector_load_idx %arg8[%add3A_170] : memref<12800xf32, #tpu.memory_space<vmem>>[vector<16xi32>], vector<16xf32>,
        %add3A_172 = arith.addf %scan3A_157, %gather3A_171 : vector<16xf32>
        %add3A_173 = arith.constant 2 : i32
        %add3A_174 = arith.addi %mul3A_159, %add3A_173 : i32
        %add3A_175 = vector.broadcast %add3A_174 : i32 to vector<16xi32>
        %add3A_176 = arith.addi %mul3A_133, %add3A_175 : vector<16xi32>
        %gather3A_177 = tpu.vector_load_idx %arg8[%add3A_176] : memref<12800xf32, #tpu.memory_space<vmem>>[vector<16xi32>], vector<16xf32>,
        %add3A_178 = arith.addf %add3A_164, %gather3A_177 : vector<16xf32>
        %add3A_179 = arith.constant 2 : i32
        %add3A_180 = arith.addi %mul3A_159, %add3A_179 : i32
        %add3A_181 = arith.constant 1 : i32
        %add3A_182 = arith.addi %add3A_180, %add3A_181 : i32
        %add3A_183 = vector.broadcast %add3A_182 : i32 to vector<16xi32>
        %add3A_184 = arith.addi %mul3A_133, %add3A_183 : vector<16xi32>
        %gather3A_185 = tpu.vector_load_idx %arg8[%add3A_184] : memref<12800xf32, #tpu.memory_space<vmem>>[vector<16xi32>], vector<16xf32>,
        %add3A_186 = arith.addf %add3A_172, %gather3A_185 : vector<16xf32>
        %add3A_187 = arith.constant 4 : i32
        %add3A_188 = arith.addi %mul3A_159, %add3A_187 : i32
        %add3A_189 = vector.broadcast %add3A_188 : i32 to vector<16xi32>
        %add3A_190 = arith.addi %mul3A_133, %add3A_189 : vector<16xi32>
        %gather3A_191 = tpu.vector_load_idx %arg8[%add3A_190] : memref<12800xf32, #tpu.memory_space<vmem>>[vector<16xi32>], vector<16xf32>,
        %add3A_192 = arith.addf %add3A_178, %gather3A_191 : vector<16xf32>
        %add3A_193 = arith.constant 4 : i32
        %add3A_194 = arith.addi %mul3A_159, %add3A_193 : i32
        %add3A_195 = arith.constant 1 : i32
        %add3A_196 = arith.addi %add3A_194, %add3A_195 : i32
        %add3A_197 = vector.broadcast %add3A_196 : i32 to vector<16xi32>
        %add3A_198 = arith.addi %mul3A_133, %add3A_197 : vector<16xi32>
        %gather3A_199 = tpu.vector_load_idx %arg8[%add3A_198] : memref<12800xf32, #tpu.memory_space<vmem>>[vector<16xi32>], vector<16xf32>,
        %add3A_200 = arith.addf %add3A_186, %gather3A_199 : vector<16xf32>
        %add3A_201 = arith.constant 6 : i32
        %add3A_202 = arith.addi %mul3A_159, %add3A_201 : i32
        %add3A_203 = vector.broadcast %add3A_202 : i32 to vector<16xi32>
        %add3A_204 = arith.addi %mul3A_133, %add3A_203 : vector<16xi32>
        %gather3A_205 = tpu.vector_load_idx %arg8[%add3A_204] : memref<12800xf32, #tpu.memory_space<vmem>>[vector<16xi32>], vector<16xf32>,
        %add3A_206 = arith.addf %add3A_192, %gather3A_205 : vector<16xf32>
        %add3A_207 = arith.constant 6 : i32
        %add3A_208 = arith.addi %mul3A_159, %add3A_207 : i32
        %add3A_209 = arith.constant 1 : i32
        %add3A_210 = arith.addi %add3A_208, %add3A_209 : i32
        %add3A_211 = vector.broadcast %add3A_210 : i32 to vector<16xi32>
        %add3A_212 = arith.addi %mul3A_133, %add3A_211 : vector<16xi32>
        %gather3A_213 = tpu.vector_load_idx %arg8[%add3A_212] : memref<12800xf32, #tpu.memory_space<vmem>>[vector<16xi32>], vector<16xf32>,
        %add3A_214 = arith.addf %add3A_200, %gather3A_213 : vector<16xf32>
        scf.yield %add3A_206, %add3A_214 : vector<16xf32>, vector<16xf32>
      }
      %scan3A_140 = arith.constant 25 : i32
      %add3A_141 = arith.addf %scan3A_139#0, %scan3A_139#1 : vector<16xf32>
      %mul3A_142 = arith.mulf %add3A_141, %get3A_3 : vector<16xf32>
      %add3A_143 = arith.addf %mul3A_142, %get3A_5 : vector<16xf32>
      %ge3A = arith.cmpf oge, %add3A_143, %get3A_7 : vector<16xf32>
      %jit3A = arith.constant 1.000000e+00 : f32
      %jit3A_144 = arith.constant 0.000000e+00 : f32
      %broadcast_in_dim3A_145 = vector.broadcast %jit3A : f32 to vector<16xf32>
      %broadcast_in_dim3A_146 = vector.broadcast %jit3A_144 : f32 to vector<16xf32>
      %select_n3A = arith.select %ge3A, %broadcast_in_dim3A_145, %broadcast_in_dim3A_146 : vector<16xi1>, vector<16xf32>
      %mul3A_147 = arith.constant 16 : i32
      %mul3A_148 = arith.muli %scan3A_125, %mul3A_147 : i32
      %add3A_149 = arith.constant 448 : i32
      %add3A_150 = arith.addi %add3A_149, %mul3A_148 : i32
      %swap3A = arith.index_cast %add3A_150 : i32 to index
      %swap3A_151 = tpu.vector_load %arg9[%swap3A] {strides = array<i32>} : memref<512xf32, #tpu.memory_space<vmem>>, vector<16xf32>,
      tpu.vector_store %arg9[%swap3A], %add3A_143 {strides = array<i32>} : memref<512xf32, #tpu.memory_space<vmem>>, vector<16xf32>,
      %swap3A_152 = arith.index_cast %add3A_150 : i32 to index
      %swap3A_153 = tpu.vector_load %arg10[%swap3A_152] {strides = array<i32>} : memref<512xf32, #tpu.memory_space<vmem>>, vector<16xf32>,
      tpu.vector_store %arg10[%swap3A_152], %select_n3A {strides = array<i32>} : memref<512xf32, #tpu.memory_space<vmem>>, vector<16xf32>,
      %scan3A_154 = arith.constant 0 : i32
      scf.yield %scan3A_154 : i32
    }
    %scan3A_124 = arith.constant 4 : i32
    "tpu.region"() ({
      %run_scoped3A = tpu.sem_alloc : memref<!tpu.dma_semaphore, #tpu.memory_space<semaphore_mem>>
      %dma_start3A_125 = tpu.memref_slice %arg5[%mul3A_2] : memref<16384xf32, #tpu.memory_space<hbm>> -> memref<512xf32, #tpu.memory_space<hbm>>
      %dma_start3A_126 = tpu.memref_slice %arg5[%mul3A_2] : memref<16384xf32, #tpu.memory_space<hbm>> -> memref<512xf32, #tpu.memory_space<hbm>>
      tpu.enqueue_dma source(%arg9 : memref<512xf32, #tpu.memory_space<vmem>>) target(%dma_start3A_126 : memref<512xf32, #tpu.memory_space<hbm>>) target_semaphore(%run_scoped3A : memref<!tpu.dma_semaphore, #tpu.memory_space<semaphore_mem>>)
      %dma_wait3A_127 = tpu.memref_slice %arg5[%mul3A_2] : memref<16384xf32, #tpu.memory_space<hbm>> -> memref<512xf32, #tpu.memory_space<hbm>>
      %dma_wait3A_128 = tpu.memref_slice %arg5[%mul3A_2] : memref<16384xf32, #tpu.memory_space<hbm>> -> memref<512xf32, #tpu.memory_space<hbm>>
      tpu.wait_dma2 semaphore(%run_scoped3A : memref<!tpu.dma_semaphore, #tpu.memory_space<semaphore_mem>>) src(%arg9 : memref<512xf32, #tpu.memory_space<vmem>>) dst(%dma_wait3A_128 : memref<512xf32, #tpu.memory_space<hbm>>)
      tpu.yield
    }) : () -> ()
    "tpu.region"() ({
      %run_scoped3A = tpu.sem_alloc : memref<!tpu.dma_semaphore, #tpu.memory_space<semaphore_mem>>
      %dma_start3A_125 = tpu.memref_slice %arg6[%mul3A_2] : memref<16384xf32, #tpu.memory_space<hbm>> -> memref<512xf32, #tpu.memory_space<hbm>>
      %dma_start3A_126 = tpu.memref_slice %arg6[%mul3A_2] : memref<16384xf32, #tpu.memory_space<hbm>> -> memref<512xf32, #tpu.memory_space<hbm>>
      tpu.enqueue_dma source(%arg10 : memref<512xf32, #tpu.memory_space<vmem>>) target(%dma_start3A_126 : memref<512xf32, #tpu.memory_space<hbm>>) target_semaphore(%run_scoped3A : memref<!tpu.dma_semaphore, #tpu.memory_space<semaphore_mem>>)
      %dma_wait3A_127 = tpu.memref_slice %arg6[%mul3A_2] : memref<16384xf32, #tpu.memory_space<hbm>> -> memref<512xf32, #tpu.memory_space<hbm>>
      %dma_wait3A_128 = tpu.memref_slice %arg6[%mul3A_2] : memref<16384xf32, #tpu.memory_space<hbm>> -> memref<512xf32, #tpu.memory_space<hbm>>
      tpu.wait_dma2 semaphore(%run_scoped3A : memref<!tpu.dma_semaphore, #tpu.memory_space<semaphore_mem>>) src(%arg10 : memref<512xf32, #tpu.memory_space<vmem>>) dst(%dma_wait3A_128 : memref<512xf32, #tpu.memory_space<hbm>>)
      tpu.yield
    }) : () -> ()
    return
  }
}

</mosaic_0001>

<sc_bundles>
// kernel: _run.3.cloned.1.call-start
scs
__scs_entry_jumppad:
0x0: {  	(pc) =	sbr.rel $0x88, $3  }
0x1: {  	(tag) =	ssettag $0x0;
	lr =	simm.s32 $0x1  }
0x2: {  	[smem:$0x3F9E] =	sst lr;
	_ =	strace $0xD0000000  }
0x3: {  	_ = 	snop  }
0x4: {  	_ = 	snop  }
0x5: {  	_ = 	snop  }
0x6: {  	_ = 	snop  }
0x7: {  	_ = 	snop  }
__scs_overlays_trampoline_lowered:
0x8: {  	[smem:$0x3FAD] =	sst s0  }
0x9: {  	[smem:$0x3FAE] =	sst s1  }
0xa: {  	[smem:$0x3FAF] =	sst s2  }
0xb: {  	[smem:$0x3FB0] =	sst s3  }
0xc: {  	[smem:$0x3FB1] =	sst s4  }
0xd: {  	[smem:$0x3FB2] =	sst s5  }
0xe: {  	[smem:$0x3FB3] =	sst s6  }
0xf: {  	[smem:$0x3FB4] =	sst s7  }
0x10: {  	[smem:$0x3FB5] =	sst s8  }
0x11: {  	[smem:$0x3FB6] =	sst s9;
	s0 =	simm.s32 @!p0 $0x0  }
0x12: {  	s1 =	sld [smem:$0x3F9C];
	s0 =	simm.s32 @p0 $0x1  }
0x13: {  	[smem:$0x3FB7] =	sst s0;
	s0 =	simm.s32 @!p1 $0x0  }
0x14: {  	s2 =	sld [smem:$0x3F9B];
	s0 =	simm.s32 @p1 $0x1  }
0x15: {  	[smem:$0x3FB8] =	sst s0;
	s0 =	simm.s32 @!p2 $0x0  }
0x16: {  	s3 =	sld [smem:$0x3FDB];
	s0 =	simm.s32 @p2 $0x1  }
0x17: {  	s4 =	simm.s32 $0x1BF5;
	[smem:$0x3FBA] =	sst s0  }
0x18: {  	s0 =	sld [smem:$0x3F9D];
	_ =	swait.ge [sflag:s4], $0x0  }
0x19: {  	s7 =	sld [smem:$0x3F9E]  }
0x1a: {  	s8 =	sadd.s32 $0xFFFFE003, lr  }
0x1b: {  	s9 =	sadd.s32 $0xFFFFFEF7, lr;
	s5 =	simm.s32 $0xFFFFFFFF;
	p2 =	slt.u32 s8, $0xFFFFF086  }
0x1c: {  	p1 =	slt.u32 s9, $0xF7A;
	s5 =	simm.s32 @!p2 $0x0  }
0x1d: {  	s5 =	simm.s32 @p1 $0x1;
	p0 =	seq.s32 s7, s2  }
0x1e: {  	s7 =	smul.u32 @!p0 $0xF7A, s2;
	p2 =	seq.s32 @!p0 s5, $0x0  }
0x1f: {  	s9 =	smul.u32 $0xF7A, s1;
	s8 =	simm.s32 @!p0 $0x1BF5;
	p2 =	por !p2, p0  }
0x20: {  	[sflag:s8] =	ssyncset.s32 @!p0 $0xFFFFF086;
	s6 =	sadd.s32 @!p0 s3, s7;
	s7 =	simm.s32 @!p0 $0x108  }
0x21: {  	s3 =	sadd.s32 s3, s9;
	s6 =	sadd.s32 @!p0 $0x88, s6;
	s7 =	simm.s32 @p2 $0x1082  }
0x22: {  	[simem:s7], [sflag:s8] =	dma.local @!p0 [hbm:s6], $0xF7A  }
0x23: {  	s9 =	sor.u32 $0xD0000000, s2;
	s6 =	simm.s32 $0x108;
	_ =	swait.ge @!p0 [sflag:s8], $0x0  }
0x24: {  	s3 =	sadd.s32 $0x88, s3;
	s6 =	simm.s32 @!p1 $0x1082;
	[sflag:s4] =	ssyncset.s32 $0xFFFFF086  }
0x25: {  	[simem:s6], [sflag:s4] =	dma.local [hbm:s3], $0xF7A  }
0x26: {  	[smem:$0x3F9E] =	sst s1;
	(tag) =	ssettag s2;
	_ =	strace s9  }
0x27: {  	s1 =	sld [smem:$0x3FAE]  }
0x28: {  	s2 =	sld [smem:$0x3FAF]  }
0x29: {  	s4 =	sld [smem:$0x3FB1]  }
0x2a: {  	p0 =	seq.s32 s5, $0x0;
	s5 =	sld [smem:$0x3FB2]  }
0x2b: {  	s6 =	sld [smem:$0x3FB3]  }
0x2c: {  	s7 =	sld [smem:$0x3FB4]  }
0x2d: {  	s3 =	simm.s32 $0x108;
	s8 =	sld [smem:$0x3FB5]  }
0x2e: {  	s3 =	simm.s32 @!p0 $0x1082;
	s9 =	sld [smem:$0x3FB6]  }
0x2f: {  	lr =	sadd.s32 s0, s3;
	s0 =	sld [smem:$0x3FAD]  }
0x30: {  	s3 =	sld [smem:$0x3FB0]  }
0x31: {  	[smem:$0x3FB9] =	sst s10  }
0x32: {  	s10 =	sld [smem:$0x3FB7];
	_ =	sdelay $0x3  }
0x33: {  	p0 =	seq.s32 s10, $0x1;
	s10 =	sld [smem:$0x3FB9];
	_ =	sdelay $0x3  }
0x34: {  	[smem:$0x3FB9] =	sst s10  }
0x35: {  	s10 =	sld [smem:$0x3FB8];
	_ =	sdelay $0x3  }
0x36: {  	p1 =	seq.s32 s10, $0x1;
	s10 =	sld [smem:$0x3FB9];
	_ =	sdelay $0x3  }
0x37: {  	[smem:$0x3FB9] =	sst s10  }
0x38: {  	s10 =	sld [smem:$0x3FBA]  }
0x39: {  	_ = 	snop;
	(pc) =	sbr.ind lr, $3  }
0x3a: {  	_ = 	snop  }
0x3b: {  	_ = 	snop  }
0x3c: {  	p2 =	seq.s32 s10, $0x1;
	s10 =	sld [smem:$0x3FB9]  }
0x3d: {  	_ =	shalt  }
0x3e: {  	_ =	shalt  }
0x3f: {  	_ =	shalt  }
0x40: {  	_ =	shalt  }
0x41: {  	_ =	shalt  }
0x42: {  	_ =	shalt  }
0x43: {  	_ =	shalt  }
0x44: {  	_ =	shalt  }
0x45: {  	_ =	shalt  }
0x46: {  	_ =	shalt  }
0x47: {  	_ =	shalt  }
0x48: {  	_ =	shalt  }
0x49: {  	_ =	shalt  }
0x4a: {  	_ =	shalt  }
0x4b: {  	_ =	shalt  }
0x4c: {  	_ =	shalt  }
0x4d: {  	_ =	shalt  }
0x4e: {  	_ =	shalt  }
0x4f: {  	_ =	shalt  }
0x50: {  	_ =	shalt  }
0x51: {  	_ =	shalt  }
0x52: {  	_ =	shalt  }
0x53: {  	_ =	shalt  }
0x54: {  	_ =	shalt  }
0x55: {  	_ =	shalt  }
0x56: {  	_ =	shalt  }
0x57: {  	_ =	shalt  }
0x58: {  	_ =	shalt  }
0x59: {  	_ =	shalt  }
0x5a: {  	_ =	shalt  }
0x5b: {  	_ =	shalt  }
0x5c: {  	_ =	shalt  }
0x5d: {  	_ =	shalt  }
0x5e: {  	_ =	shalt  }
0x5f: {  	_ =	shalt  }
0x60: {  	_ =	shalt  }
0x61: {  	_ =	shalt  }
0x62: {  	_ =	shalt  }
0x63: {  	_ =	shalt  }
0x64: {  	_ =	shalt  }
0x65: {  	_ =	shalt  }
0x66: {  	_ =	shalt  }
0x67: {  	_ =	shalt  }
0x68: {  	_ =	shalt  }
0x69: {  	_ =	shalt  }
0x6a: {  	_ =	shalt  }
0x6b: {  	_ =	shalt  }
0x6c: {  	_ =	shalt  }
0x6d: {  	_ =	shalt  }
0x6e: {  	_ =	shalt  }
0x6f: {  	_ =	shalt  }
0x70: {  	_ =	shalt  }
0x71: {  	_ =	shalt  }
0x72: {  	_ =	shalt  }
0x73: {  	_ =	shalt  }
0x74: {  	_ =	shalt  }
0x75: {  	_ =	shalt  }
0x76: {  	_ =	shalt  }
0x77: {  	_ =	shalt  }
0x78: {  	_ =	shalt  }
0x79: {  	_ =	shalt  }
0x7a: {  	_ =	shalt  }
0x7b: {  	_ =	shalt  }
0x7c: {  	_ =	shalt  }
0x7d: {  	_ =	shalt  }
0x7e: {  	_ =	shalt  }
0x7f: {  	_ =	shalt  }
0x80: {  	_ =	shalt  }
0x81: {  	_ =	shalt  }
0x82: {  	_ =	shalt  }
0x83: {  	_ =	shalt  }
0x84: {  	_ =	shalt  }
0x85: {  	_ =	shalt  }
0x86: {  	_ =	shalt  }
0x87: {  	_ =	shalt  }
.Lfunc_end0:
.L_simem_size_0:
called_computation_lowered:
.L_overlay_start_0:
0x88: {  	s2 =	sld [smem:$0x3FD9]  }
0x89: {  	s3 =	sld [smem:$0x3FFE];
	_ =	sdelay $0x1  }
0x8a: {  	s1 =	srdreg.scid  }
0x8b: {  	s0 =	sand.u32 $0x1, s1  }
0x8c: {  	s15 =	sshll.u32 s0, $0xA;
	s2 =	sadd.s32 s3, s2  }
0x8d: {  	s2 =	sadd.s32 s2, s15  }
0x8e: {  	[smem:$0x3FC5] =	sst s2  }
0x8f: {  	_ = 	snop  }
0x90: {  	s2 =	sld [smem:$0x3FD0]  }
0x91: {  	s16 =	sld [smem:$0x3FC9]  }
0x92: {  	s4 =	sld [smem:$0x3FC8]  }
0x93: {  	s6 =	simm.s32 $0xA;
	s7 =	simm.s32 $0x10;
	s5 =	sld [smem:$0x3FC7]  }
0x94: {  	[smem:s7], [sflag:s6] =	dma.local [hbm:s2], $0x1  }
0x95: {  	_ =	swait.eq [sflag:s6], $0x1  }
0x96: {  	[sflag:s6] =	ssyncset.done $0x0  }
0x97: {  	s17 =	sld [smem:$0x10];
	[sflag:s6] =	ssyncadd.s32 $0xFFFFFFFF  }
0x98: {  	s18 =	sld [smem:$0x11];
	(tm) =	ssettm $0x1  }
0x99: {  	s19 =	sld [smem:$0x3FFB];
	_ =	sdelay $0x3  }
0x9a: {  	_ =	strace s19  }
0x9b: {  	s7 =	sld [smem:$0x3FFC];
	_ =	sdelay $0x3  }
0x9c: {  	_ =	strace s7  }
0x9d: {  	s7 =	sld [smem:$0x3FFD];
	_ =	sdelay $0x3  }
0x9e: {  	_ =	strace s7  }
0x9f: {  	_ =	strace $0x8FFFFFFF  }
0xa0: {  	s20 =	sld [smem:$0x3FDB];
	_ =	sdelay $0x1  }
0xa1: {  	s8 =	simm.s32 $_scs_section_size  }
0xa2: {  	s9 =	simm.s32 $_size__tile_overlayer_lowered;
	s10 =	simm.s32 $_tile_overlayer_lowered  }
0xa3: {  	s23 =	simm.s32 $0x1BFF;
	s22 =	sshll.u32 s10, $0x1;
	s7 =	sadd.s32 s8, s20  }
0xa4: {  	s11 =	simm.s32 $0x0;
	s21 =	sshll.u32 s9, $0x1;
	s9 =	sadd.s32 s22, s7  }
0xa5: {  	[timem:s11], [sflag:s23] =	dma.local [hbm:s9], s21  }
0xa6: {  	_ =	swait.ge [sflag:s23], s21  }
0xa7: {  	s8 =	ssub.s32 $0x0, s21;
	[sflag:s23] =	ssyncset.done $0x0  }
0xa8: {  	[sflag:s23] =	ssyncadd.s32 s8;
	_ =	sdelay $0x1  }
0xa9: {  	s24 =	simm.s32 $0x1B8B  }
0xaa: {  	_ =	swait.ge [sflag:s24], $0x1  }
0xab: {  	[sflag:s24] =	ssyncset.done $0x0  }
0xac: {  	s25 =	simm.s32 $0x1B8E;
	[sflag:s24] =	ssyncadd.s32 $0xFFFFFFFF  }
0xad: {  	s26 =	simm.s32 $execute0_lowered;
	[smem:$0x3FD2] =	sst s25  }
0xae: {  	s8 =	sshll.u32 s26, $0x1;
	_ =	strace $0x80000046;
	[dreg:$0x1] =	wrdreg $0xFFFFFFFF  }
0xaf: {  	s28 =	simm.s32 $_size_execute0_lowered;
	s7 =	sadd.s32 s7, s8;
	[dreg:$0x0] =	wrdreg $0x0  }
0xb0: {  	s8 =	sshll.u32 s28, $0x1;
	[dreg:$0x2] =	wrdreg s7  }
0xb1: {  	[dreg:$0x3] =	wrdreg s8  }
0xb2: {  	[dreg:$0x4] =	wrdreg $0xC0  }
0xb3: {  	_ =	task [dreg:s11], $0x5FFFF  }
0xb4: {  	[dreg:$0x1] =	wrdreg $0xFFFFFFFF  }
0xb5: {  	[dreg:$0x0] =	wrdreg $0x60  }
0xb6: {  	[dreg:$0x2] =	wrdreg s16  }
0xb7: {  	[dreg:$0x3] =	wrdreg s4  }
0xb8: {  	[dreg:$0x4] =	wrdreg s5  }
0xb9: {  	[dreg:$0x5] =	wrdreg s17  }
0xba: {  	[dreg:$0x6] =	wrdreg s18  }
0xbb: {  	[dreg:$0x7] =	wrdreg $0x9  }
0xbc: {  	_ =	task.clear_ibuf [dreg:s11], $0x8FFFF;
	_ =	strace $0x90000046  }
0xbd: {  	s29 =	simm.s32 $0x9;
	_ =	strace $0x80000048  }
0xbe: {  	_ =	swait.ge [sflag:s29], $0x1  }
0xbf: {  	[sflag:s29] =	ssyncadd.s32 $0xFFFFFFFF  }
0xc0: {  	_ =	strace $0x90000048  }
0xc1: {  	_ =	sfence  }
0xc2: {  	s30 =	sld [smem:$0x0];
	_ =	sdelay $0x2  }
0xc3: {  	s31 =	sshll.u32 s1, $0xD;
	s1 =	sshrl.u32 s1, $0x2  }
0xc4: {  	s3 =	sand.u32 $0x4000, s31;
	s1 =	sadd.s32 s1, s30  }
0xc5: {  	s0 =	sor.u32 s3, s0;
	s1 =	sshll.u32 s1, $0x11  }
0xc6: {  	s0 =	sor.u32 s1, s0  }
0xc7: {  	s0 =	sadd.s32 $0x8F2B, s0  }
0xc8: {  	[sflag:s0] =	ssyncadd.remote.s32 $0x1  }
0xc9: {  	_ =	sfence.sel $0xFFFF  }
0xca: {  	[dreg:$0x0] =	wrdreg $0xFFFFFFFF;
	(pc) =	sbr.abs _section_cstart, $3  }
0xcb: {  	[dreg:$0x1] =	wrdreg $0xFFFFFFFF  }
0xcc: {  	_ =	task.clear_ibuf [dreg:s11], $0x2FFFF;
	_ =	strace $0x9FFFFFFF  }
0xcd: {  	(tm) =	ssettm $0x7FFFFFFF  }
tec
execute0_lowered:
.L_overlay_start_1:
0x0: {  	(tag) =	ssettag $0x1  }
0x1: {  	s6 =	rddreg [dreg:$0x0]  }
0x2: {  	s1 =	rddreg [dreg:$0x1]  }
0x3: {  	s2 =	rddreg [dreg:$0x2]  }
0x4: {  	s3 =	srdreg.scid;
	s13 =	rddreg [dreg:$0x3]  }
0x5: {  	s0 =	stileid.u32;
	s14 =	rddreg [dreg:$0x4]  }
0x6: {  	s4 =	simm.s32 $0x0;
	s17 =	simm.s32 $0x2;
	s18 =	simm.s32 $0x3200  }
0x7: {  	s19 =	simm.s32 $0x1;
	s20 =	simm.s32 $0x6400;
	s21 =	simm.s32 $0x6600  }
0x8: {  	s5 =	sand.u32 $0x1, s3;
	s31 =	sshll.u32 s0, $0x1;
	s3 =	rddreg [dreg:$0x5]  }
0x9: {  	s22 =	simm.s32 $0x0;
	[smem:$0x7FF] =	sst s4;
	s11 =	sor.u32 s5, s31  }
0xa: {  	s5 =	ssub.s32 $0x2, s5;
	_ =	strace $0x80000047;
	s7 =	smul.u32 $0x19000, s11  }
0xb: {  	s8 =	smul.u32 $0x3200, s11;
	s9 =	sshrl.u32 s5, $0x1;
	s16 =	sshll.u32 s11, $0x6  }
0xc: {  	s15 =	ssub.s32 s5, s9;
	s13 =	sadd.s32 s13, s16;
	s7 =	sshrl.u32 s7, $0x3  }
0xd: {  	s14 =	sadd.s32 s14, s16;
	s16 =	simm.s32 $0x6800;
	s12 =	sadd.s32 s6, s7  }
0xe: {  	s5 =	sadd.s32 s6, s8;
	s15 =	smax.u32 s15, $0x1;
	s6 =	sadd.s32 $0x640, s12  }
0xf: {  	v0 =	vlaneseq.u32;
	s7 =	sadd.s32 $0xC80, s12;
	s8 =	sadd.s32 $0x12C0, s12;
	s9 =	sadd.s32 $0x1900, s12  }
0x10: {  	v1 =	vimm.f32 $0.0e+00;
	v0 =	vmul.u32 $0xC8, v0;
	s10 =	sadd.s32 $0x1F40, s12;
	s11 =	sadd.s32 $0x2580, s12;
	s12 =	sadd.s32 $0x2BC0, s12  }
.LBB2_1:
0x11: {  	[tilespmem:s16], [sflag:$0x2] =	stream.linear.gather [hbm4b:s2+s4], $0x80, $0x38;
	[tilespmem:$0x6880] =	vst v63  }
0x12: {  	_ =	swait.ge [sflag:s17], $0x80  }
0x13: {  	[sflag:s17] =	ssyncset.done $0x0  }
0x14: {  	[sflag:s17] =	ssyncadd.s32 $0xFFFFFF80  }
0x15: {  	v2 =	vld [tilespmem:$0x6800]  }
0x16: {  	v3 =	vld [tilespmem:$0x6810]  }
0x17: {  	v4 =	vld [tilespmem:$0x6820];
	[tilespmem:s4], [sflag:$0x2] =	stream.linear.gather [hbm4b:s5+s4], $0x3200, $0x38  }
0x18: {  	_ =	swait.ge [sflag:s17], $0x3200  }
0x19: {  	[sflag:s17] =	ssyncset.done $0x0  }
0x1a: {  	[sflag:s17] =	ssyncadd.s32 $0xFFFFCE00  }
0x1b: {  	[tilespmem:s18], [sflag:$0x1] =	stream.indirect.gather [hbm4b:s1+s18], $0x1, s4, s18, $0xb8;
	[tilespmem:$0x6880] =	vst v63  }
0x1c: {  	_ =	swait.ge [sflag:s19], $0x3200  }
0x1d: {  	[sflag:s19] =	ssyncset.done $0x0  }
0x1e: {  	s23 =	simm.s32 $0x0;
	[sflag:s19] =	ssyncadd.s32 $0xFFFFCE00  }
.LBB2_2:
0x1f: {  	s24 =	sshll.u32 s23, $0x4  }
0x20: {  	v5 =	vmov s24  }
0x21: {  	v5 =	vmul.u32 $0xC8, v5;
	_ =	sdelay $0x1  }
0x22: {  	v5 =	vbroadcast v5, $0x0;
	_ =	sdelay $0x1  }
0x23: {  	s25 =	simm.s32 $0x1;
	v5 =	vadd.s32 v0, v5  }
0x24: {  	s26 =	simm.s32 $0x0;
	v6 =	vadd.s32 s25, v5  }
0x25: {  	s29 =	simm.s32 $0x2;
	v7 =	vadd.s32 s26, v5  }
0x26: {  	s26 =	simm.s32 $0x3;
	v9 =	vadd.s32 s29, v5  }
0x27: {  	s31 =	simm.s32 $0x4;
	v8 =	vadd.s32 s26, v5  }
0x28: {  	s30 =	simm.s32 $0x5;
	v11 =	vadd.s32 s31, v5  }
0x29: {  	v10 =	vadd.s32 s30, v5;
	s29 =	simm.s32 $0x7;
	v6 =	vld.idx.msk [tilespmem:v6+s18+$0x0], $0xffff  }
0x2a: {  	s31 =	simm.s32 $0x9;
	v12 =	vld.idx.msk [tilespmem:v7+s18+$0x0], $0xffff;
	v7 =	vadd.s32 s29, v5  }
0x2b: {  	s30 =	simm.s32 $0x6;
	v14 =	vadd.s32 s31, v5;
	v15 =	vld.idx.msk [tilespmem:v9+s18+$0x0], $0xffff  }
0x2c: {  	v13 =	vadd.s32 s30, v5;
	s31 =	simm.s32 $0xA;
	v8 =	vld.idx.msk [tilespmem:v8+s18+$0x0], $0xffff  }
0x2d: {  	s29 =	simm.s32 $0x8;
	v19 =	vld.idx.msk [tilespmem:v11+s18+$0x0], $0xffff;
	v11 =	vadd.s32 s31, v5  }
0x2e: {  	s30 =	simm.s32 $0xB;
	v18 =	vld.idx.msk [tilespmem:v10+s18+$0x0], $0xffff;
	v10 =	vimm.f32 $0.0e+00;
	v9 =	vadd.s32 s29, v5  }
0x2f: {  	s26 =	simm.s32 $0xD;
	v17 =	vadd.s32 s30, v5;
	v7 =	vld.idx.msk [tilespmem:v7+s18+$0x0], $0xffff;
	v16 =	vadd.f32 v6, v10  }
0x30: {  	s28 =	simm.s32 $0xC;
	v12 =	vadd.f32 v12, v10;
	v6 =	vld.idx.msk [tilespmem:v14+s18+$0x0], $0xffff;
	v14 =	vadd.s32 s26, v5  }
0x31: {  	s29 =	simm.s32 $0xF;
	v10 =	vld.idx.msk [tilespmem:v13+s18+$0x0], $0xffff;
	v21 =	vadd.f32 v8, v16;
	v16 =	vadd.s32 s28, v5  }
0x32: {  	s30 =	simm.s32 $0xE;
	v13 =	vadd.s32 s29, v5;
	v11 =	vld.idx.msk [tilespmem:v11+s18+$0x0], $0xffff;
	v20 =	vadd.f32 v15, v12  }
0x33: {  	s31 =	simm.s32 $0x11;
	v9 =	vld.idx.msk [tilespmem:v9+s18+$0x0], $0xffff;
	v12 =	vadd.s32 s30, v5  }
0x34: {  	s25 =	simm.s32 $0x17;
	s26 =	simm.s32 $0x1F;
	v8 =	vld.idx.msk [tilespmem:v17+s18+$0x0], $0xffff;
	s28 =	simm.s32 $0x10;
	v15 =	vadd.s32 s31, v5;
	v17 =	vadd.f32 v19, v20;
	v18 =	vadd.f32 v18, v21  }
.LBB2_3:
0x35: {  	p0 =	sne.s32 s26, $0xC7;
	v19 =	vadd.s32 s28, v5;
	s28 =	sadd.s32 $0xFFFFFFFC, s25;
	v20 =	vld.idx.msk [tilespmem:v14+s18+$0x0], $0xffff  }
0x36: {  	s29 =	sadd.s32 $0xFFFFFFFB, s25;
	v21 =	vadd.s32 s28, v5;
	v22 =	vld.idx.msk [tilespmem:v16+s18+$0x0], $0xffff;
	v10 =	vadd.f32 v10, v17;
	v16 =	vadd.f32 v7, v18  }
0x37: {  	v17 =	vadd.s32 s29, v5;
	s28 =	sadd.s32 $0xFFFFFFFE, s25;
	v7 =	vld.idx.msk [tilespmem:v13+s18+$0x0], $0xffff  }
.Ltmp0:
0x38: {  	s29 =	sadd.s32 $0xFFFFFFFD, s25;
	v14 =	vadd.s32 s28, v5;
	v18 =	vadd.f32 v9, v10;
	v23 =	vadd.f32 v6, v16;
	v10 =	vld.idx.msk [tilespmem:v12+s18+$0x0], $0xffff;
	(pc) =	sbr.rel @p0 .LBB2_3-.Ltmp0, $4  }
0x39: {  	v16 =	vadd.s32 s29, v5;
	v6 =	vld.idx.msk [tilespmem:v15+s18+$0x0], $0xffff  }
0x3a: {  	s28 =	sadd.s32 $0xFFFFFFFF, s25;
	v13 =	vadd.s32 s25, v5;
	s25 =	smov.u32 s26;
	v9 =	vld.idx.msk [tilespmem:v19+s18+$0x0], $0xffff;
	v18 =	vadd.f32 v11, v18;
	v19 =	vadd.f32 v8, v23  }
0x3b: {  	s29 =	sadd.s32 $0xFFFFFFFA, s26;
	v12 =	vadd.s32 s28, v5;
	v8 =	vld.idx.msk [tilespmem:v21+s18+$0x0], $0xffff  }
0x3c: {  	s28 =	sadd.s32 $0xFFFFFFF9, s25;
	s26 =	sadd.s32 $0x8, s26;
	v15 =	vadd.s32 s29, v5;
	v11 =	vld.idx.msk [tilespmem:v17+s18+$0x0], $0xffff;
	v17 =	vadd.f32 v22, v18;
	v18 =	vadd.f32 v20, v19  }
0x3d: {  	_ =	sdelay $0x3  }
0x3e: {  	v19 =	vadd.s32 s28, v5;
	s26 =	sadd.s32 $0xFFFFFFFC, s25;
	v14 =	vld.idx.msk [tilespmem:v14+s18+$0x0], $0xffff;
	v10 =	vadd.f32 v10, v17;
	v7 =	vadd.f32 v7, v18  }
0x3f: {  	s31 =	sadd.s32 $0xFFFFFFFB, s25;
	v16 =	vld.idx.msk [tilespmem:v16+s18+$0x0], $0xffff;
	v55 =	vadd.s32 s26, v5  }
0x40: {  	v13 =	vld.idx.msk [tilespmem:v13+s18+$0x0], $0xffff;
	s30 =	sadd.s32 $0xFFFFFFFD, s25;
	v56 =	vadd.s32 s31, v5;
	v9 =	vadd.f32 v9, v10;
	v6 =	vadd.f32 v6, v7  }
0x41: {  	s29 =	sadd.s32 $0xFFFFFFFE, s25;
	v57 =	vld.idx.msk [tilespmem:v12+s18+$0x0], $0xffff;
	v59 =	vadd.s32 s30, v5  }
0x42: {  	v58 =	vld.idx.msk [tilespmem:v15+s18+$0x0], $0xffff;
	v7 =	vadd.s32 s29, v5;
	v9 =	vadd.f32 v11, v9;
	v6 =	vadd.f32 v8, v6  }
0x43: {  	v61 =	vadd.s32 s25, v5;
	s31 =	sadd.s32 $0xFFFFFFFF, s25;
	v60 =	vld.idx.msk [tilespmem:v19+s18+$0x0], $0xffff  }
0x44: {  	v5 =	vadd.s32 s31, v5;
	v17 =	vld.idx.msk [tilespmem:v55+s18+$0x0], $0xffff;
	v9 =	vadd.f32 v16, v9;
	v6 =	vadd.f32 v14, v6  }
0x45: {  	v62 =	vld.idx.msk [tilespmem:v56+s18+$0x0], $0xffff  }
0x46: {  	v63 =	vld.idx.msk [tilespmem:v59+s18+$0x0], $0xffff;
	v9 =	vadd.f32 v57, v9;
	v6 =	vadd.f32 v13, v6  }
0x47: {  	v7 =	vld.idx.msk [tilespmem:v7+s18+$0x0], $0xffff  }
0x48: {  	v11 =	vld.idx.msk [tilespmem:v61+s18+$0x0], $0xffff;
	v8 =	vadd.f32 v60, v9;
	v6 =	vadd.f32 v58, v6  }
0x49: {  	v5 =	vld.idx.msk [tilespmem:v5+s18+$0x0], $0xffff  }
0x4a: {  	v8 =	vadd.f32 v62, v8;
	v6 =	vadd.f32 v17, v6;
	_ =	sdelay $0x1  }
0x4b: {  	v8 =	vadd.f32 v63, v8;
	v6 =	vadd.f32 v7, v6;
	_ =	sdelay $0x1  }
0x4c: {  	v5 =	vadd.f32 v5, v8;
	v6 =	vadd.f32 v11, v6;
	_ =	sdelay $0x1  }
0x4d: {  	v5 =	vadd.f32 v6, v5;
	_ =	sdelay $0x1  }
0x4e: {  	s23 =	sadd.s32 $0x1, s23;
	v5 =	vmul.f32 v5, v2  }
0x4f: {  	p0 =	sne.s32 s23, $0x4  }
.Ltmp1:
0x50: {  	v5 =	vadd.f32 v5, v3;
	(pc) =	sbr.rel @p0 .LBB2_2-.Ltmp1, $4  }
0x51: {  	_ = 	snop  }
0x52: {  	vm0 =	vge.f32 v5, v4  }
0x53: {  	[tilespmem:s24+$0x6400] =	vst v5;
	v6 =	vsel vm0, $0x3F800000, v1  }
0x54: {  	[tilespmem:s24+$0x6600] =	vst v6  }
0x55: {  	s23 =	simm.s32 $0x0  }
0x56: {  	[tilespmem:s23], [sflag:$0x2] =	stream.linear.gather [hbm4b:s6+s23], $0x3200, $0x38;
	[tilespmem:$0x6880] =	vst v63  }
0x57: {  	_ =	swait.ge [sflag:s17], $0x3200  }
0x58: {  	[sflag:s17] =	ssyncset.done $0x0  }
0x59: {  	[sflag:s17] =	ssyncadd.s32 $0xFFFFCE00  }
0x5a: {  	[tilespmem:s18], [sflag:$0x1] =	stream.indirect.gather [hbm4b:s1+s18], $0x1, s23, s18, $0xb8;
	[tilespmem:$0x6880] =	vst v63  }
0x5b: {  	_ =	swait.ge [sflag:s19], $0x3200  }
0x5c: {  	[sflag:s19] =	ssyncset.done $0x0  }
0x5d: {  	[sflag:s19] =	ssyncadd.s32 $0xFFFFCE00  }
.LBB2_6:
0x5e: {  	s24 =	sshll.u32 s23, $0x4  }
0x5f: {  	v5 =	vmov s24  }
0x60: {  	v5 =	vmul.u32 $0xC8, v5;
	_ =	sdelay $0x1  }
0x61: {  	v5 =	vbroadcast v5, $0x0;
	_ =	sdelay $0x1  }
0x62: {  	s25 =	simm.s32 $0x1;
	v5 =	vadd.s32 v0, v5  }
0x63: {  	s26 =	simm.s32 $0x0;
	v6 =	vadd.s32 s25, v5  }
0x64: {  	s29 =	simm.s32 $0x2;
	v7 =	vadd.s32 s26, v5  }
0x65: {  	s26 =	simm.s32 $0x3;
	v9 =	vadd.s32 s29, v5  }
0x66: {  	s31 =	simm.s32 $0x4;
	v8 =	vadd.s32 s26, v5  }
0x67: {  	s30 =	simm.s32 $0x5;
	v11 =	vadd.s32 s31, v5  }
0x68: {  	v10 =	vadd.s32 s30, v5;
	s29 =	simm.s32 $0x7;
	v6 =	vld.idx.msk [tilespmem:v6+s18+$0x0], $0xffff  }
0x69: {  	s31 =	simm.s32 $0x9;
	v12 =	vld.idx.msk [tilespmem:v7+s18+$0x0], $0xffff;
	v7 =	vadd.s32 s29, v5  }
0x6a: {  	s30 =	simm.s32 $0x6;
	v14 =	vadd.s32 s31, v5;
	v15 =	vld.idx.msk [tilespmem:v9+s18+$0x0], $0xffff  }
0x6b: {  	v13 =	vadd.s32 s30, v5;
	s31 =	simm.s32 $0xA;
	v8 =	vld.idx.msk [tilespmem:v8+s18+$0x0], $0xffff  }
0x6c: {  	s29 =	simm.s32 $0x8;
	v19 =	vld.idx.msk [tilespmem:v11+s18+$0x0], $0xffff;
	v11 =	vadd.s32 s31, v5  }
0x6d: {  	s30 =	simm.s32 $0xB;
	v18 =	vld.idx.msk [tilespmem:v10+s18+$0x0], $0xffff;
	v10 =	vimm.f32 $0.0e+00;
	v9 =	vadd.s32 s29, v5  }
0x6e: {  	s26 =	simm.s32 $0xD;
	v17 =	vadd.s32 s30, v5;
	v7 =	vld.idx.msk [tilespmem:v7+s18+$0x0], $0xffff;
	v16 =	vadd.f32 v6, v10  }
0x6f: {  	s28 =	simm.s32 $0xC;
	v12 =	vadd.f32 v12, v10;
	v6 =	vld.idx.msk [tilespmem:v14+s18+$0x0], $0xffff;
	v14 =	vadd.s32 s26, v5  }
0x70: {  	s29 =	simm.s32 $0xF;
	v10 =	vld.idx.msk [tilespmem:v13+s18+$0x0], $0xffff;
	v21 =	vadd.f32 v8, v16;
	v16 =	vadd.s32 s28, v5  }
0x71: {  	s30 =	simm.s32 $0xE;
	v13 =	vadd.s32 s29, v5;
	v11 =	vld.idx.msk [tilespmem:v11+s18+$0x0], $0xffff;
	v20 =	vadd.f32 v15, v12  }
0x72: {  	s31 =	simm.s32 $0x11;
	v9 =	vld.idx.msk [tilespmem:v9+s18+$0x0], $0xffff;
	v12 =	vadd.s32 s30, v5  }
0x73: {  	s25 =	simm.s32 $0x17;
	s26 =	simm.s32 $0x1F;
	v8 =	vld.idx.msk [tilespmem:v17+s18+$0x0], $0xffff;
	s28 =	simm.s32 $0x10;
	v15 =	vadd.s32 s31, v5;
	v17 =	vadd.f32 v19, v20;
	v18 =	vadd.f32 v18, v21  }
.LBB2_7:
0x74: {  	p0 =	sne.s32 s26, $0xC7;
	v19 =	vadd.s32 s28, v5;
	s28 =	sadd.s32 $0xFFFFFFFC, s25;
	v20 =	vld.idx.msk [tilespmem:v14+s18+$0x0], $0xffff  }
0x75: {  	s29 =	sadd.s32 $0xFFFFFFFB, s25;
	v21 =	vadd.s32 s28, v5;
	v22 =	vld.idx.msk [tilespmem:v16+s18+$0x0], $0xffff;
	v10 =	vadd.f32 v10, v17;
	v16 =	vadd.f32 v7, v18  }
0x76: {  	v17 =	vadd.s32 s29, v5;
	s28 =	sadd.s32 $0xFFFFFFFE, s25;
	v7 =	vld.idx.msk [tilespmem:v13+s18+$0x0], $0xffff  }
.Ltmp2:
0x77: {  	s29 =	sadd.s32 $0xFFFFFFFD, s25;
	v14 =	vadd.s32 s28, v5;
	v18 =	vadd.f32 v9, v10;
	v23 =	vadd.f32 v6, v16;
	v10 =	vld.idx.msk [tilespmem:v12+s18+$0x0], $0xffff;
	(pc) =	sbr.rel @p0 .LBB2_7-.Ltmp2, $4  }
0x78: {  	v16 =	vadd.s32 s29, v5;
	v6 =	vld.idx.msk [tilespmem:v15+s18+$0x0], $0xffff  }
0x79: {  	s28 =	sadd.s32 $0xFFFFFFFF, s25;
	v13 =	vadd.s32 s25, v5;
	s25 =	smov.u32 s26;
	v9 =	vld.idx.msk [tilespmem:v19+s18+$0x0], $0xffff;
	v18 =	vadd.f32 v11, v18;
	v19 =	vadd.f32 v8, v23  }
0x7a: {  	s29 =	sadd.s32 $0xFFFFFFFA, s26;
	v12 =	vadd.s32 s28, v5;
	v8 =	vld.idx.msk [tilespmem:v21+s18+$0x0], $0xffff  }
0x7b: {  	s28 =	sadd.s32 $0xFFFFFFF9, s25;
	s26 =	sadd.s32 $0x8, s26;
	v15 =	vadd.s32 s29, v5;
	v11 =	vld.idx.msk [tilespmem:v17+s18+$0x0], $0xffff;
	v17 =	vadd.f32 v22, v18;
	v18 =	vadd.f32 v20, v19  }
0x7c: {  	_ =	sdelay $0x3  }
0x7d: {  	v19 =	vadd.s32 s28, v5;
	s26 =	sadd.s32 $0xFFFFFFFC, s25;
	v14 =	vld.idx.msk [tilespmem:v14+s18+$0x0], $0xffff;
	v10 =	vadd.f32 v10, v17;
	v7 =	vadd.f32 v7, v18  }
0x7e: {  	s31 =	sadd.s32 $0xFFFFFFFB, s25;
	v16 =	vld.idx.msk [tilespmem:v16+s18+$0x0], $0xffff;
	v55 =	vadd.s32 s26, v5  }
0x7f: {  	v13 =	vld.idx.msk [tilespmem:v13+s18+$0x0], $0xffff;
	s30 =	sadd.s32 $0xFFFFFFFD, s25;
	v56 =	vadd.s32 s31, v5;
	v9 =	vadd.f32 v9, v10;
	v6 =	vadd.f32 v6, v7  }
0x80: {  	s29 =	sadd.s32 $0xFFFFFFFE, s25;
	v57 =	vld.idx.msk [tilespmem:v12+s18+$0x0], $0xffff;
	v59 =	vadd.s32 s30, v5  }
0x81: {  	v58 =	vld.idx.msk [tilespmem:v15+s18+$0x0], $0xffff;
	v7 =	vadd.s32 s29, v5;
	v9 =	vadd.f32 v11, v9;
	v6 =	vadd.f32 v8, v6  }
0x82: {  	v61 =	vadd.s32 s25, v5;
	s31 =	sadd.s32 $0xFFFFFFFF, s25;
	v60 =	vld.idx.msk [tilespmem:v19+s18+$0x0], $0xffff  }
0x83: {  	v5 =	vadd.s32 s31, v5;
	v17 =	vld.idx.msk [tilespmem:v55+s18+$0x0], $0xffff;
	v9 =	vadd.f32 v16, v9;
	v6 =	vadd.f32 v14, v6  }
0x84: {  	v62 =	vld.idx.msk [tilespmem:v56+s18+$0x0], $0xffff  }
0x85: {  	v63 =	vld.idx.msk [tilespmem:v59+s18+$0x0], $0xffff;
	v9 =	vadd.f32 v57, v9;
	v6 =	vadd.f32 v13, v6  }
0x86: {  	v7 =	vld.idx.msk [tilespmem:v7+s18+$0x0], $0xffff  }
0x87: {  	v11 =	vld.idx.msk [tilespmem:v61+s18+$0x0], $0xffff;
	v8 =	vadd.f32 v60, v9;
	v6 =	vadd.f32 v58, v6  }
0x88: {  	v5 =	vld.idx.msk [tilespmem:v5+s18+$0x0], $0xffff  }
0x89: {  	v8 =	vadd.f32 v62, v8;
	v6 =	vadd.f32 v17, v6;
	_ =	sdelay $0x1  }
0x8a: {  	v8 =	vadd.f32 v63, v8;
	v6 =	vadd.f32 v7, v6;
	_ =	sdelay $0x1  }
0x8b: {  	v5 =	vadd.f32 v5, v8;
	v6 =	vadd.f32 v11, v6;
	_ =	sdelay $0x1  }
0x8c: {  	v5 =	vadd.f32 v6, v5;
	_ =	sdelay $0x1  }
0x8d: {  	s23 =	sadd.s32 $0x1, s23;
	v5 =	vmul.f32 v5, v2  }
0x8e: {  	p0 =	sne.s32 s23, $0x4  }
.Ltmp3:
0x8f: {  	v5 =	vadd.f32 v5, v3;
	(pc) =	sbr.rel @p0 .LBB2_6-.Ltmp3, $4  }
0x90: {  	_ = 	snop  }
0x91: {  	vm0 =	vge.f32 v5, v4  }
0x92: {  	[tilespmem:s24+$0x6440] =	vst v5;
	v6 =	vsel vm0, $0x3F800000, v1  }
0x93: {  	[tilespmem:s24+$0x6640] =	vst v6  }
0x94: {  	s23 =	simm.s32 $0x0  }
0x95: {  	[tilespmem:s23], [sflag:$0x2] =	stream.linear.gather [hbm4b:s7+s23], $0x3200, $0x38;
	[tilespmem:$0x6880] =	vst v63  }
0x96: {  	_ =	swait.ge [sflag:s17], $0x3200  }
0x97: {  	[sflag:s17] =	ssyncset.done $0x0  }
0x98: {  	[sflag:s17] =	ssyncadd.s32 $0xFFFFCE00  }
0x99: {  	[tilespmem:s18], [sflag:$0x1] =	stream.indirect.gather [hbm4b:s1+s18], $0x1, s23, s18, $0xb8;
	[tilespmem:$0x6880] =	vst v63  }
0x9a: {  	_ =	swait.ge [sflag:s19], $0x3200  }
0x9b: {  	[sflag:s19] =	ssyncset.done $0x0  }
0x9c: {  	[sflag:s19] =	ssyncadd.s32 $0xFFFFCE00  }
.LBB2_10:
0x9d: {  	s24 =	sshll.u32 s23, $0x4  }
0x9e: {  	v5 =	vmov s24  }
0x9f: {  	v5 =	vmul.u32 $0xC8, v5;
	_ =	sdelay $0x1  }
0xa0: {  	v5 =	vbroadcast v5, $0x0;
	_ =	sdelay $0x1  }
0xa1: {  	s25 =	simm.s32 $0x1;
	v5 =	vadd.s32 v0, v5  }
0xa2: {  	s26 =	simm.s32 $0x0;
	v6 =	vadd.s32 s25, v5  }
0xa3: {  	s29 =	simm.s32 $0x2;
	v7 =	vadd.s32 s26, v5  }
0xa4: {  	s26 =	simm.s32 $0x3;
	v9 =	vadd.s32 s29, v5  }
0xa5: {  	s31 =	simm.s32 $0x4;
	v8 =	vadd.s32 s26, v5  }
0xa6: {  	s30 =	simm.s32 $0x5;
	v11 =	vadd.s32 s31, v5  }
0xa7: {  	v10 =	vadd.s32 s30, v5;
	s29 =	simm.s32 $0x7;
	v6 =	vld.idx.msk [tilespmem:v6+s18+$0x0], $0xffff  }
0xa8: {  	s31 =	simm.s32 $0x9;
	v12 =	vld.idx.msk [tilespmem:v7+s18+$0x0], $0xffff;
	v7 =	vadd.s32 s29, v5  }
0xa9: {  	s30 =	simm.s32 $0x6;
	v14 =	vadd.s32 s31, v5;
	v15 =	vld.idx.msk [tilespmem:v9+s18+$0x0], $0xffff  }
0xaa: {  	v13 =	vadd.s32 s30, v5;
	s31 =	simm.s32 $0xA;
	v8 =	vld.idx.msk [tilespmem:v8+s18+$0x0], $0xffff  }
0xab: {  	s29 =	simm.s32 $0x8;
	v19 =	vld.idx.msk [tilespmem:v11+s18+$0x0], $0xffff;
	v11 =	vadd.s32 s31, v5  }
0xac: {  	s30 =	simm.s32 $0xB;
	v18 =	vld.idx.msk [tilespmem:v10+s18+$0x0], $0xffff;
	v10 =	vimm.f32 $0.0e+00;
	v9 =	vadd.s32 s29, v5  }
0xad: {  	s26 =	simm.s32 $0xD;
	v17 =	vadd.s32 s30, v5;
	v7 =	vld.idx.msk [tilespmem:v7+s18+$0x0], $0xffff;
	v16 =	vadd.f32 v6, v10  }
0xae: {  	s28 =	simm.s32 $0xC;
	v12 =	vadd.f32 v12, v10;
	v6 =	vld.idx.msk [tilespmem:v14+s18+$0x0], $0xffff;
	v14 =	vadd.s32 s26, v5  }
0xaf: {  	s29 =	simm.s32 $0xF;
	v10 =	vld.idx.msk [tilespmem:v13+s18+$0x0], $0xffff;
	v21 =	vadd.f32 v8, v16;
	v16 =	vadd.s32 s28, v5  }
0xb0: {  	s30 =	simm.s32 $0xE;
	v13 =	vadd.s32 s29, v5;
	v11 =	vld.idx.msk [tilespmem:v11+s18+$0x0], $0xffff;
	v20 =	vadd.f32 v15, v12  }
0xb1: {  	s31 =	simm.s32 $0x11;
	v9 =	vld.idx.msk [tilespmem:v9+s18+$0x0], $0xffff;
	v12 =	vadd.s32 s30, v5  }
0xb2: {  	s25 =	simm.s32 $0x17;
	s26 =	simm.s32 $0x1F;
	v8 =	vld.idx.msk [tilespmem:v17+s18+$0x0], $0xffff;
	s28 =	simm.s32 $0x10;
	v15 =	vadd.s32 s31, v5;
	v17 =	vadd.f32 v19, v20;
	v18 =	vadd.f32 v18, v21  }
.LBB2_11:
0xb3: {  	p0 =	sne.s32 s26, $0xC7;
	v19 =	vadd.s32 s28, v5;
	s28 =	sadd.s32 $0xFFFFFFFC, s25;
	v20 =	vld.idx.msk [tilespmem:v14+s18+$0x0], $0xffff  }
0xb4: {  	s29 =	sadd.s32 $0xFFFFFFFB, s25;
	v21 =	vadd.s32 s28, v5;
	v22 =	vld.idx.msk [tilespmem:v16+s18+$0x0], $0xffff;
	v10 =	vadd.f32 v10, v17;
	v16 =	vadd.f32 v7, v18  }
0xb5: {  	v17 =	vadd.s32 s29, v5;
	s28 =	sadd.s32 $0xFFFFFFFE, s25;
	v7 =	vld.idx.msk [tilespmem:v13+s18+$0x0], $0xffff  }
.Ltmp4:
0xb6: {  	s29 =	sadd.s32 $0xFFFFFFFD, s25;
	v14 =	vadd.s32 s28, v5;
	v18 =	vadd.f32 v9, v10;
	v23 =	vadd.f32 v6, v16;
	v10 =	vld.idx.msk [tilespmem:v12+s18+$0x0], $0xffff;
	(pc) =	sbr.rel @p0 .LBB2_11-.Ltmp4, $4  }
0xb7: {  	v16 =	vadd.s32 s29, v5;
	v6 =	vld.idx.msk [tilespmem:v15+s18+$0x0], $0xffff  }
0xb8: {  	s28 =	sadd.s32 $0xFFFFFFFF, s25;
	v13 =	vadd.s32 s25, v5;
	s25 =	smov.u32 s26;
	v9 =	vld.idx.msk [tilespmem:v19+s18+$0x0], $0xffff;
	v18 =	vadd.f32 v11, v18;
	v19 =	vadd.f32 v8, v23  }
0xb9: {  	s29 =	sadd.s32 $0xFFFFFFFA, s26;
	v12 =	vadd.s32 s28, v5;
	v8 =	vld.idx.msk [tilespmem:v21+s18+$0x0], $0xffff  }
0xba: {  	s28 =	sadd.s32 $0xFFFFFFF9, s25;
	s26 =	sadd.s32 $0x8, s26;
	v15 =	vadd.s32 s29, v5;
	v11 =	vld.idx.msk [tilespmem:v17+s18+$0x0], $0xffff;
	v17 =	vadd.f32 v22, v18;
	v18 =	vadd.f32 v20, v19  }
0xbb: {  	_ =	sdelay $0x3  }
0xbc: {  	v19 =	vadd.s32 s28, v5;
	s26 =	sadd.s32 $0xFFFFFFFC, s25;
	v14 =	vld.idx.msk [tilespmem:v14+s18+$0x0], $0xffff;
	v10 =	vadd.f32 v10, v17;
	v7 =	vadd.f32 v7, v18  }
0xbd: {  	s31 =	sadd.s32 $0xFFFFFFFB, s25;
	v16 =	vld.idx.msk [tilespmem:v16+s18+$0x0], $0xffff;
	v55 =	vadd.s32 s26, v5  }
0xbe: {  	v13 =	vld.idx.msk [tilespmem:v13+s18+$0x0], $0xffff;
	s30 =	sadd.s32 $0xFFFFFFFD, s25;
	v56 =	vadd.s32 s31, v5;
	v9 =	vadd.f32 v9, v10;
	v6 =	vadd.f32 v6, v7  }
0xbf: {  	s29 =	sadd.s32 $0xFFFFFFFE, s25;
	v57 =	vld.idx.msk [tilespmem:v12+s18+$0x0], $0xffff;
	v59 =	vadd.s32 s30, v5  }
0xc0: {  	v58 =	vld.idx.msk [tilespmem:v15+s18+$0x0], $0xffff;
	v7 =	vadd.s32 s29, v5;
	v9 =	vadd.f32 v11, v9;
	v6 =	vadd.f32 v8, v6  }
0xc1: {  	v61 =	vadd.s32 s25, v5;
	s31 =	sadd.s32 $0xFFFFFFFF, s25;
	v60 =	vld.idx.msk [tilespmem:v19+s18+$0x0], $0xffff  }
0xc2: {  	v5 =	vadd.s32 s31, v5;
	v17 =	vld.idx.msk [tilespmem:v55+s18+$0x0], $0xffff;
	v9 =	vadd.f32 v16, v9;
	v6 =	vadd.f32 v14, v6  }
0xc3: {  	v62 =	vld.idx.msk [tilespmem:v56+s18+$0x0], $0xffff  }
0xc4: {  	v63 =	vld.idx.msk [tilespmem:v59+s18+$0x0], $0xffff;
	v9 =	vadd.f32 v57, v9;
	v6 =	vadd.f32 v13, v6  }
0xc5: {  	v7 =	vld.idx.msk [tilespmem:v7+s18+$0x0], $0xffff  }
0xc6: {  	v11 =	vld.idx.msk [tilespmem:v61+s18+$0x0], $0xffff;
	v8 =	vadd.f32 v60, v9;
	v6 =	vadd.f32 v58, v6  }
0xc7: {  	v5 =	vld.idx.msk [tilespmem:v5+s18+$0x0], $0xffff  }
0xc8: {  	v8 =	vadd.f32 v62, v8;
	v6 =	vadd.f32 v17, v6;
	_ =	sdelay $0x1  }
0xc9: {  	v8 =	vadd.f32 v63, v8;
	v6 =	vadd.f32 v7, v6;
	_ =	sdelay $0x1  }
0xca: {  	v5 =	vadd.f32 v5, v8;
	v6 =	vadd.f32 v11, v6;
	_ =	sdelay $0x1  }
0xcb: {  	v5 =	vadd.f32 v6, v5;
	_ =	sdelay $0x1  }
0xcc: {  	s23 =	sadd.s32 $0x1, s23;
	v5 =	vmul.f32 v5, v2  }
0xcd: {  	p0 =	sne.s32 s23, $0x4  }
.Ltmp5:
0xce: {  	v5 =	vadd.f32 v5, v3;
	(pc) =	sbr.rel @p0 .LBB2_10-.Ltmp5, $4  }
0xcf: {  	_ = 	snop  }
0xd0: {  	vm0 =	vge.f32 v5, v4  }
0xd1: {  	[tilespmem:s24+$0x6480] =	vst v5;
	v6 =	vsel vm0, $0x3F800000, v1  }
0xd2: {  	[tilespmem:s24+$0x6680] =	vst v6  }
0xd3: {  	s23 =	simm.s32 $0x0  }
0xd4: {  	[tilespmem:s23], [sflag:$0x2] =	stream.linear.gather [hbm4b:s8+s23], $0x3200, $0x38;
	[tilespmem:$0x6880] =	vst v63  }
0xd5: {  	_ =	swait.ge [sflag:s17], $0x3200  }
0xd6: {  	[sflag:s17] =	ssyncset.done $0x0  }
0xd7: {  	[sflag:s17] =	ssyncadd.s32 $0xFFFFCE00  }
0xd8: {  	[tilespmem:s18], [sflag:$0x1] =	stream.indirect.gather [hbm4b:s1+s18], $0x1, s23, s18, $0xb8;
	[tilespmem:$0x6880] =	vst v63  }
0xd9: {  	_ =	swait.ge [sflag:s19], $0x3200  }
0xda: {  	[sflag:s19] =	ssyncset.done $0x0  }
0xdb: {  	[sflag:s19] =	ssyncadd.s32 $0xFFFFCE00  }
.LBB2_14:
0xdc: {  	s24 =	sshll.u32 s23, $0x4  }
0xdd: {  	v5 =	vmov s24  }
0xde: {  	v5 =	vmul.u32 $0xC8, v5;
	_ =	sdelay $0x1  }
0xdf: {  	v5 =	vbroadcast v5, $0x0;
	_ =	sdelay $0x1  }
0xe0: {  	s25 =	simm.s32 $0x1;
	v5 =	vadd.s32 v0, v5  }
0xe1: {  	s26 =	simm.s32 $0x0;
	v6 =	vadd.s32 s25, v5  }
0xe2: {  	s29 =	simm.s32 $0x2;
	v7 =	vadd.s32 s26, v5  }
0xe3: {  	s26 =	simm.s32 $0x3;
	v9 =	vadd.s32 s29, v5  }
0xe4: {  	s31 =	simm.s32 $0x4;
	v8 =	vadd.s32 s26, v5  }
0xe5: {  	s30 =	simm.s32 $0x5;
	v11 =	vadd.s32 s31, v5  }
0xe6: {  	v10 =	vadd.s32 s30, v5;
	s29 =	simm.s32 $0x7;
	v6 =	vld.idx.msk [tilespmem:v6+s18+$0x0], $0xffff  }
0xe7: {  	s31 =	simm.s32 $0x9;
	v12 =	vld.idx.msk [tilespmem:v7+s18+$0x0], $0xffff;
	v7 =	vadd.s32 s29, v5  }
0xe8: {  	s30 =	simm.s32 $0x6;
	v14 =	vadd.s32 s31, v5;
	v15 =	vld.idx.msk [tilespmem:v9+s18+$0x0], $0xffff  }
0xe9: {  	v13 =	vadd.s32 s30, v5;
	s31 =	simm.s32 $0xA;
	v8 =	vld.idx.msk [tilespmem:v8+s18+$0x0], $0xffff  }
0xea: {  	s29 =	simm.s32 $0x8;
	v19 =	vld.idx.msk [tilespmem:v11+s18+$0x0], $0xffff;
	v11 =	vadd.s32 s31, v5  }
0xeb: {  	s30 =	simm.s32 $0xB;
	v18 =	vld.idx.msk [tilespmem:v10+s18+$0x0], $0xffff;
	v10 =	vimm.f32 $0.0e+00;
	v9 =	vadd.s32 s29, v5  }
0xec: {  	s26 =	simm.s32 $0xD;
	v17 =	vadd.s32 s30, v5;
	v7 =	vld.idx.msk [tilespmem:v7+s18+$0x0], $0xffff;
	v16 =	vadd.f32 v6, v10  }
0xed: {  	s28 =	simm.s32 $0xC;
	v12 =	vadd.f32 v12, v10;
	v6 =	vld.idx.msk [tilespmem:v14+s18+$0x0], $0xffff;
	v14 =	vadd.s32 s26, v5  }
0xee: {  	s29 =	simm.s32 $0xF;
	v10 =	vld.idx.msk [tilespmem:v13+s18+$0x0], $0xffff;
	v21 =	vadd.f32 v8, v16;
	v16 =	vadd.s32 s28, v5  }
0xef: {  	s30 =	simm.s32 $0xE;
	v13 =	vadd.s32 s29, v5;
	v11 =	vld.idx.msk [tilespmem:v11+s18+$0x0], $0xffff;
	v20 =	vadd.f32 v15, v12  }
0xf0: {  	s31 =	simm.s32 $0x11;
	v9 =	vld.idx.msk [tilespmem:v9+s18+$0x0], $0xffff;
	v12 =	vadd.s32 s30, v5  }
0xf1: {  	s25 =	simm.s32 $0x17;
	s26 =	simm.s32 $0x1F;
	v8 =	vld.idx.msk [tilespmem:v17+s18+$0x0], $0xffff;
	s28 =	simm.s32 $0x10;
	v15 =	vadd.s32 s31, v5;
	v17 =	vadd.f32 v19, v20;
	v18 =	vadd.f32 v18, v21  }
.LBB2_15:
0xf2: {  	p0 =	sne.s32 s26, $0xC7;
	v19 =	vadd.s32 s28, v5;
	s28 =	sadd.s32 $0xFFFFFFFC, s25;
	v20 =	vld.idx.msk [tilespmem:v14+s18+$0x0], $0xffff  }
0xf3: {  	s29 =	sadd.s32 $0xFFFFFFFB, s25;
	v21 =	vadd.s32 s28, v5;
	v22 =	vld.idx.msk [tilespmem:v16+s18+$0x0], $0xffff;
	v10 =	vadd.f32 v10, v17;
	v16 =	vadd.f32 v7, v18  }
0xf4: {  	v17 =	vadd.s32 s29, v5;
	s28 =	sadd.s32 $0xFFFFFFFE, s25;
	v7 =	vld.idx.msk [tilespmem:v13+s18+$0x0], $0xffff  }
.Ltmp6:
0xf5: {  	s29 =	sadd.s32 $0xFFFFFFFD, s25;
	v14 =	vadd.s32 s28, v5;
	v18 =	vadd.f32 v9, v10;
	v23 =	vadd.f32 v6, v16;
	v10 =	vld.idx.msk [tilespmem:v12+s18+$0x0], $0xffff;
	(pc) =	sbr.rel @p0 .LBB2_15-.Ltmp6, $4  }
0xf6: {  	v16 =	vadd.s32 s29, v5;
	v6 =	vld.idx.msk [tilespmem:v15+s18+$0x0], $0xffff  }
0xf7: {  	s28 =	sadd.s32 $0xFFFFFFFF, s25;
	v13 =	vadd.s32 s25, v5;
	s25 =	smov.u32 s26;
	v9 =	vld.idx.msk [tilespmem:v19+s18+$0x0], $0xffff;
	v18 =	vadd.f32 v11, v18;
	v19 =	vadd.f32 v8, v23  }
0xf8: {  	s29 =	sadd.s32 $0xFFFFFFFA, s26;
	v12 =	vadd.s32 s28, v5;
	v8 =	vld.idx.msk [tilespmem:v21+s18+$0x0], $0xffff  }
0xf9: {  	s28 =	sadd.s32 $0xFFFFFFF9, s25;
	s26 =	sadd.s32 $0x8, s26;
	v15 =	vadd.s32 s29, v5;
	v11 =	vld.idx.msk [tilespmem:v17+s18+$0x0], $0xffff;
	v17 =	vadd.f32 v22, v18;
	v18 =	vadd.f32 v20, v19  }
0xfa: {  	_ =	sdelay $0x3  }
0xfb: {  	v19 =	vadd.s32 s28, v5;
	s26 =	sadd.s32 $0xFFFFFFFC, s25;
	v14 =	vld.idx.msk [tilespmem:v14+s18+$0x0], $0xffff;
	v10 =	vadd.f32 v10, v17;
	v7 =	vadd.f32 v7, v18  }
0xfc: {  	s31 =	sadd.s32 $0xFFFFFFFB, s25;
	v16 =	vld.idx.msk [tilespmem:v16+s18+$0x0], $0xffff;
	v55 =	vadd.s32 s26, v5  }
0xfd: {  	v13 =	vld.idx.msk [tilespmem:v13+s18+$0x0], $0xffff;
	s30 =	sadd.s32 $0xFFFFFFFD, s25;
	v56 =	vadd.s32 s31, v5;
	v9 =	vadd.f32 v9, v10;
	v6 =	vadd.f32 v6, v7  }
0xfe: {  	s29 =	sadd.s32 $0xFFFFFFFE, s25;
	v57 =	vld.idx.msk [tilespmem:v12+s18+$0x0], $0xffff;
	v59 =	vadd.s32 s30, v5  }
0xff: {  	v58 =	vld.idx.msk [tilespmem:v15+s18+$0x0], $0xffff;
	v7 =	vadd.s32 s29, v5;
	v9 =	vadd.f32 v11, v9;
	v6 =	vadd.f32 v8, v6  }
0x100: {  	v61 =	vadd.s32 s25, v5;
	s31 =	sadd.s32 $0xFFFFFFFF, s25;
	v60 =	vld.idx.msk [tilespmem:v19+s18+$0x0], $0xffff  }
0x101: {  	v5 =	vadd.s32 s31, v5;
	v17 =	vld.idx.msk [tilespmem:v55+s18+$0x0], $0xffff;
	v9 =	vadd.f32 v16, v9;
	v6 =	vadd.f32 v14, v6  }
0x102: {  	v62 =	vld.idx.msk [tilespmem:v56+s18+$0x0], $0xffff  }
0x103: {  	v63 =	vld.idx.msk [tilespmem:v59+s18+$0x0], $0xffff;
	v9 =	vadd.f32 v57, v9;
	v6 =	vadd.f32 v13, v6  }
0x104: {  	v7 =	vld.idx.msk [tilespmem:v7+s18+$0x0], $0xffff  }
0x105: {  	v11 =	vld.idx.msk [tilespmem:v61+s18+$0x0], $0xffff;
	v8 =	vadd.f32 v60, v9;
	v6 =	vadd.f32 v58, v6  }
0x106: {  	v5 =	vld.idx.msk [tilespmem:v5+s18+$0x0], $0xffff  }
0x107: {  	v8 =	vadd.f32 v62, v8;
	v6 =	vadd.f32 v17, v6;
	_ =	sdelay $0x1  }
0x108: {  	v8 =	vadd.f32 v63, v8;
	v6 =	vadd.f32 v7, v6;
	_ =	sdelay $0x1  }
0x109: {  	v5 =	vadd.f32 v5, v8;
	v6 =	vadd.f32 v11, v6;
	_ =	sdelay $0x1  }
0x10a: {  	v5 =	vadd.f32 v6, v5;
	_ =	sdelay $0x1  }
0x10b: {  	s23 =	sadd.s32 $0x1, s23;
	v5 =	vmul.f32 v5, v2  }
0x10c: {  	p0 =	sne.s32 s23, $0x4  }
.Ltmp7:
0x10d: {  	v5 =	vadd.f32 v5, v3;
	(pc) =	sbr.rel @p0 .LBB2_14-.Ltmp7, $4  }
0x10e: {  	_ = 	snop  }
0x10f: {  	vm0 =	vge.f32 v5, v4  }
0x110: {  	[tilespmem:s24+$0x64C0] =	vst v5;
	v6 =	vsel vm0, $0x3F800000, v1  }
0x111: {  	[tilespmem:s24+$0x66C0] =	vst v6  }
0x112: {  	s23 =	simm.s32 $0x0  }
0x113: {  	[tilespmem:s23], [sflag:$0x2] =	stream.linear.gather [hbm4b:s9+s23], $0x3200, $0x38;
	[tilespmem:$0x6880] =	vst v63  }
0x114: {  	_ =	swait.ge [sflag:s17], $0x3200  }
0x115: {  	[sflag:s17] =	ssyncset.done $0x0  }
0x116: {  	[sflag:s17] =	ssyncadd.s32 $0xFFFFCE00  }
0x117: {  	[tilespmem:s18], [sflag:$0x1] =	stream.indirect.gather [hbm4b:s1+s18], $0x1, s23, s18, $0xb8;
	[tilespmem:$0x6880] =	vst v63  }
0x118: {  	_ =	swait.ge [sflag:s19], $0x3200  }
0x119: {  	[sflag:s19] =	ssyncset.done $0x0  }
0x11a: {  	[sflag:s19] =	ssyncadd.s32 $0xFFFFCE00  }
.LBB2_18:
0x11b: {  	s24 =	sshll.u32 s23, $0x4  }
0x11c: {  	v5 =	vmov s24  }
0x11d: {  	v5 =	vmul.u32 $0xC8, v5;
	_ =	sdelay $0x1  }
0x11e: {  	v5 =	vbroadcast v5, $0x0;
	_ =	sdelay $0x1  }
0x11f: {  	s25 =	simm.s32 $0x1;
	v5 =	vadd.s32 v0, v5  }
0x120: {  	s26 =	simm.s32 $0x0;
	v6 =	vadd.s32 s25, v5  }
0x121: {  	s29 =	simm.s32 $0x2;
	v7 =	vadd.s32 s26, v5  }
0x122: {  	s26 =	simm.s32 $0x3;
	v9 =	vadd.s32 s29, v5  }
0x123: {  	s31 =	simm.s32 $0x4;
	v8 =	vadd.s32 s26, v5  }
0x124: {  	s30 =	simm.s32 $0x5;
	v11 =	vadd.s32 s31, v5  }
0x125: {  	v10 =	vadd.s32 s30, v5;
	s29 =	simm.s32 $0x7;
	v6 =	vld.idx.msk [tilespmem:v6+s18+$0x0], $0xffff  }
0x126: {  	s31 =	simm.s32 $0x9;
	v12 =	vld.idx.msk [tilespmem:v7+s18+$0x0], $0xffff;
	v7 =	vadd.s32 s29, v5  }
0x127: {  	s30 =	simm.s32 $0x6;
	v14 =	vadd.s32 s31, v5;
	v15 =	vld.idx.msk [tilespmem:v9+s18+$0x0], $0xffff  }
0x128: {  	v13 =	vadd.s32 s30, v5;
	s31 =	simm.s32 $0xA;
	v8 =	vld.idx.msk [tilespmem:v8+s18+$0x0], $0xffff  }
0x129: {  	s29 =	simm.s32 $0x8;
	v19 =	vld.idx.msk [tilespmem:v11+s18+$0x0], $0xffff;
	v11 =	vadd.s32 s31, v5  }
0x12a: {  	s30 =	simm.s32 $0xB;
	v18 =	vld.idx.msk [tilespmem:v10+s18+$0x0], $0xffff;
	v10 =	vimm.f32 $0.0e+00;
	v9 =	vadd.s32 s29, v5  }
0x12b: {  	s26 =	simm.s32 $0xD;
	v17 =	vadd.s32 s30, v5;
	v7 =	vld.idx.msk [tilespmem:v7+s18+$0x0], $0xffff;
	v16 =	vadd.f32 v6, v10  }
0x12c: {  	s28 =	simm.s32 $0xC;
	v12 =	vadd.f32 v12, v10;
	v6 =	vld.idx.msk [tilespmem:v14+s18+$0x0], $0xffff;
	v14 =	vadd.s32 s26, v5  }
0x12d: {  	s29 =	simm.s32 $0xF;
	v10 =	vld.idx.msk [tilespmem:v13+s18+$0x0], $0xffff;
	v21 =	vadd.f32 v8, v16;
	v16 =	vadd.s32 s28, v5  }
0x12e: {  	s30 =	simm.s32 $0xE;
	v13 =	vadd.s32 s29, v5;
	v11 =	vld.idx.msk [tilespmem:v11+s18+$0x0], $0xffff;
	v20 =	vadd.f32 v15, v12  }
0x12f: {  	s31 =	simm.s32 $0x11;
	v9 =	vld.idx.msk [tilespmem:v9+s18+$0x0], $0xffff;
	v12 =	vadd.s32 s30, v5  }
0x130: {  	s25 =	simm.s32 $0x17;
	s26 =	simm.s32 $0x1F;
	v8 =	vld.idx.msk [tilespmem:v17+s18+$0x0], $0xffff;
	s28 =	simm.s32 $0x10;
	v15 =	vadd.s32 s31, v5;
	v17 =	vadd.f32 v19, v20;
	v18 =	vadd.f32 v18, v21  }
.LBB2_19:
0x131: {  	p0 =	sne.s32 s26, $0xC7;
	v19 =	vadd.s32 s28, v5;
	s28 =	sadd.s32 $0xFFFFFFFC, s25;
	v20 =	vld.idx.msk [tilespmem:v14+s18+$0x0], $0xffff  }
0x132: {  	s29 =	sadd.s32 $0xFFFFFFFB, s25;
	v21 =	vadd.s32 s28, v5;
	v22 =	vld.idx.msk [tilespmem:v16+s18+$0x0], $0xffff;
	v10 =	vadd.f32 v10, v17;
	v16 =	vadd.f32 v7, v18  }
0x133: {  	v17 =	vadd.s32 s29, v5;
	s28 =	sadd.s32 $0xFFFFFFFE, s25;
	v7 =	vld.idx.msk [tilespmem:v13+s18+$0x0], $0xffff  }
.Ltmp8:
0x134: {  	s29 =	sadd.s32 $0xFFFFFFFD, s25;
	v14 =	vadd.s32 s28, v5;
	v18 =	vadd.f32 v9, v10;
	v23 =	vadd.f32 v6, v16;
	v10 =	vld.idx.msk [tilespmem:v12+s18+$0x0], $0xffff;
	(pc) =	sbr.rel @p0 .LBB2_19-.Ltmp8, $4  }
0x135: {  	v16 =	vadd.s32 s29, v5;
	v6 =	vld.idx.msk [tilespmem:v15+s18+$0x0], $0xffff  }
0x136: {  	s28 =	sadd.s32 $0xFFFFFFFF, s25;
	v13 =	vadd.s32 s25, v5;
	s25 =	smov.u32 s26;
	v9 =	vld.idx.msk [tilespmem:v19+s18+$0x0], $0xffff;
	v18 =	vadd.f32 v11, v18;
	v19 =	vadd.f32 v8, v23  }
0x137: {  	s29 =	sadd.s32 $0xFFFFFFFA, s26;
	v12 =	vadd.s32 s28, v5;
	v8 =	vld.idx.msk [tilespmem:v21+s18+$0x0], $0xffff  }
0x138: {  	s28 =	sadd.s32 $0xFFFFFFF9, s25;
	s26 =	sadd.s32 $0x8, s26;
	v15 =	vadd.s32 s29, v5;
	v11 =	vld.idx.msk [tilespmem:v17+s18+$0x0], $0xffff;
	v17 =	vadd.f32 v22, v18;
	v18 =	vadd.f32 v20, v19  }
0x139: {  	_ =	sdelay $0x3  }
0x13a: {  	v19 =	vadd.s32 s28, v5;
	s26 =	sadd.s32 $0xFFFFFFFC, s25;
	v14 =	vld.idx.msk [tilespmem:v14+s18+$0x0], $0xffff;
	v10 =	vadd.f32 v10, v17;
	v7 =	vadd.f32 v7, v18  }
0x13b: {  	s31 =	sadd.s32 $0xFFFFFFFB, s25;
	v16 =	vld.idx.msk [tilespmem:v16+s18+$0x0], $0xffff;
	v55 =	vadd.s32 s26, v5  }
0x13c: {  	v13 =	vld.idx.msk [tilespmem:v13+s18+$0x0], $0xffff;
	s30 =	sadd.s32 $0xFFFFFFFD, s25;
	v56 =	vadd.s32 s31, v5;
	v9 =	vadd.f32 v9, v10;
	v6 =	vadd.f32 v6, v7  }
0x13d: {  	s29 =	sadd.s32 $0xFFFFFFFE, s25;
	v57 =	vld.idx.msk [tilespmem:v12+s18+$0x0], $0xffff;
	v59 =	vadd.s32 s30, v5  }
0x13e: {  	v58 =	vld.idx.msk [tilespmem:v15+s18+$0x0], $0xffff;
	v7 =	vadd.s32 s29, v5;
	v9 =	vadd.f32 v11, v9;
	v6 =	vadd.f32 v8, v6  }
0x13f: {  	v61 =	vadd.s32 s25, v5;
	s31 =	sadd.s32 $0xFFFFFFFF, s25;
	v60 =	vld.idx.msk [tilespmem:v19+s18+$0x0], $0xffff  }
0x140: {  	v5 =	vadd.s32 s31, v5;
	v17 =	vld.idx.msk [tilespmem:v55+s18+$0x0], $0xffff;
	v9 =	vadd.f32 v16, v9;
	v6 =	vadd.f32 v14, v6  }
0x141: {  	v62 =	vld.idx.msk [tilespmem:v56+s18+$0x0], $0xffff  }
0x142: {  	v63 =	vld.idx.msk [tilespmem:v59+s18+$0x0], $0xffff;
	v9 =	vadd.f32 v57, v9;
	v6 =	vadd.f32 v13, v6  }
0x143: {  	v7 =	vld.idx.msk [tilespmem:v7+s18+$0x0], $0xffff  }
0x144: {  	v11 =	vld.idx.msk [tilespmem:v61+s18+$0x0], $0xffff;
	v8 =	vadd.f32 v60, v9;
	v6 =	vadd.f32 v58, v6  }
0x145: {  	v5 =	vld.idx.msk [tilespmem:v5+s18+$0x0], $0xffff  }
0x146: {  	v8 =	vadd.f32 v62, v8;
	v6 =	vadd.f32 v17, v6;
	_ =	sdelay $0x1  }
0x147: {  	v8 =	vadd.f32 v63, v8;
	v6 =	vadd.f32 v7, v6;
	_ =	sdelay $0x1  }
0x148: {  	v5 =	vadd.f32 v5, v8;
	v6 =	vadd.f32 v11, v6;
	_ =	sdelay $0x1  }
0x149: {  	v5 =	vadd.f32 v6, v5;
	_ =	sdelay $0x1  }
0x14a: {  	s23 =	sadd.s32 $0x1, s23;
	v5 =	vmul.f32 v5, v2  }
0x14b: {  	p0 =	sne.s32 s23, $0x4  }
.Ltmp9:
0x14c: {  	v5 =	vadd.f32 v5, v3;
	(pc) =	sbr.rel @p0 .LBB2_18-.Ltmp9, $4  }
0x14d: {  	_ = 	snop  }
0x14e: {  	vm0 =	vge.f32 v5, v4  }
0x14f: {  	[tilespmem:s24+$0x6500] =	vst v5;
	v6 =	vsel vm0, $0x3F800000, v1  }
0x150: {  	[tilespmem:s24+$0x6700] =	vst v6  }
0x151: {  	s23 =	simm.s32 $0x0  }
0x152: {  	[tilespmem:s23], [sflag:$0x2] =	stream.linear.gather [hbm4b:s10+s23], $0x3200, $0x38;
	[tilespmem:$0x6880] =	vst v63  }
0x153: {  	_ =	swait.ge [sflag:s17], $0x3200  }
0x154: {  	[sflag:s17] =	ssyncset.done $0x0  }
0x155: {  	[sflag:s17] =	ssyncadd.s32 $0xFFFFCE00  }
0x156: {  	[tilespmem:s18], [sflag:$0x1] =	stream.indirect.gather [hbm4b:s1+s18], $0x1, s23, s18, $0xb8;
	[tilespmem:$0x6880] =	vst v63  }
0x157: {  	_ =	swait.ge [sflag:s19], $0x3200  }
0x158: {  	[sflag:s19] =	ssyncset.done $0x0  }
0x159: {  	[sflag:s19] =	ssyncadd.s32 $0xFFFFCE00  }
.LBB2_22:
0x15a: {  	s24 =	sshll.u32 s23, $0x4  }
0x15b: {  	v5 =	vmov s24  }
0x15c: {  	v5 =	vmul.u32 $0xC8, v5;
	_ =	sdelay $0x1  }
0x15d: {  	v5 =	vbroadcast v5, $0x0;
	_ =	sdelay $0x1  }
0x15e: {  	s25 =	simm.s32 $0x1;
	v5 =	vadd.s32 v0, v5  }
0x15f: {  	s26 =	simm.s32 $0x0;
	v6 =	vadd.s32 s25, v5  }
0x160: {  	s29 =	simm.s32 $0x2;
	v7 =	vadd.s32 s26, v5  }
0x161: {  	s26 =	simm.s32 $0x3;
	v9 =	vadd.s32 s29, v5  }
0x162: {  	s31 =	simm.s32 $0x4;
	v8 =	vadd.s32 s26, v5  }
0x163: {  	s30 =	simm.s32 $0x5;
	v11 =	vadd.s32 s31, v5  }
0x164: {  	v10 =	vadd.s32 s30, v5;
	s29 =	simm.s32 $0x7;
	v6 =	vld.idx.msk [tilespmem:v6+s18+$0x0], $0xffff  }
0x165: {  	s31 =	simm.s32 $0x9;
	v12 =	vld.idx.msk [tilespmem:v7+s18+$0x0], $0xffff;
	v7 =	vadd.s32 s29, v5  }
0x166: {  	s30 =	simm.s32 $0x6;
	v14 =	vadd.s32 s31, v5;
	v15 =	vld.idx.msk [tilespmem:v9+s18+$0x0], $0xffff  }
0x167: {  	v13 =	vadd.s32 s30, v5;
	s31 =	simm.s32 $0xA;
	v8 =	vld.idx.msk [tilespmem:v8+s18+$0x0], $0xffff  }
0x168: {  	s29 =	simm.s32 $0x8;
	v19 =	vld.idx.msk [tilespmem:v11+s18+$0x0], $0xffff;
	v11 =	vadd.s32 s31, v5  }
0x169: {  	s30 =	simm.s32 $0xB;
	v18 =	vld.idx.msk [tilespmem:v10+s18+$0x0], $0xffff;
	v10 =	vimm.f32 $0.0e+00;
	v9 =	vadd.s32 s29, v5  }
0x16a: {  	s26 =	simm.s32 $0xD;
	v17 =	vadd.s32 s30, v5;
	v7 =	vld.idx.msk [tilespmem:v7+s18+$0x0], $0xffff;
	v16 =	vadd.f32 v6, v10  }
0x16b: {  	s28 =	simm.s32 $0xC;
	v12 =	vadd.f32 v12, v10;
	v6 =	vld.idx.msk [tilespmem:v14+s18+$0x0], $0xffff;
	v14 =	vadd.s32 s26, v5  }
0x16c: {  	s29 =	simm.s32 $0xF;
	v10 =	vld.idx.msk [tilespmem:v13+s18+$0x0], $0xffff;
	v21 =	vadd.f32 v8, v16;
	v16 =	vadd.s32 s28, v5  }
0x16d: {  	s30 =	simm.s32 $0xE;
	v13 =	vadd.s32 s29, v5;
	v11 =	vld.idx.msk [tilespmem:v11+s18+$0x0], $0xffff;
	v20 =	vadd.f32 v15, v12  }
0x16e: {  	s31 =	simm.s32 $0x11;
	v9 =	vld.idx.msk [tilespmem:v9+s18+$0x0], $0xffff;
	v12 =	vadd.s32 s30, v5  }
0x16f: {  	s25 =	simm.s32 $0x17;
	s26 =	simm.s32 $0x1F;
	v8 =	vld.idx.msk [tilespmem:v17+s18+$0x0], $0xffff;
	s28 =	simm.s32 $0x10;
	v15 =	vadd.s32 s31, v5;
	v17 =	vadd.f32 v19, v20;
	v18 =	vadd.f32 v18, v21  }
.LBB2_23:
0x170: {  	p0 =	sne.s32 s26, $0xC7;
	v19 =	vadd.s32 s28, v5;
	s28 =	sadd.s32 $0xFFFFFFFC, s25;
	v20 =	vld.idx.msk [tilespmem:v14+s18+$0x0], $0xffff  }
0x171: {  	s29 =	sadd.s32 $0xFFFFFFFB, s25;
	v21 =	vadd.s32 s28, v5;
	v22 =	vld.idx.msk [tilespmem:v16+s18+$0x0], $0xffff;
	v10 =	vadd.f32 v10, v17;
	v16 =	vadd.f32 v7, v18  }
0x172: {  	v17 =	vadd.s32 s29, v5;
	s28 =	sadd.s32 $0xFFFFFFFE, s25;
	v7 =	vld.idx.msk [tilespmem:v13+s18+$0x0], $0xffff  }
.Ltmp10:
0x173: {  	s29 =	sadd.s32 $0xFFFFFFFD, s25;
	v14 =	vadd.s32 s28, v5;
	v18 =	vadd.f32 v9, v10;
	v23 =	vadd.f32 v6, v16;
	v10 =	vld.idx.msk [tilespmem:v12+s18+$0x0], $0xffff;
	(pc) =	sbr.rel @p0 .LBB2_23-.Ltmp10, $4  }
0x174: {  	v16 =	vadd.s32 s29, v5;
	v6 =	vld.idx.msk [tilespmem:v15+s18+$0x0], $0xffff  }
0x175: {  	s28 =	sadd.s32 $0xFFFFFFFF, s25;
	v13 =	vadd.s32 s25, v5;
	s25 =	smov.u32 s26;
	v9 =	vld.idx.msk [tilespmem:v19+s18+$0x0], $0xffff;
	v18 =	vadd.f32 v11, v18;
	v19 =	vadd.f32 v8, v23  }
0x176: {  	s29 =	sadd.s32 $0xFFFFFFFA, s26;
	v12 =	vadd.s32 s28, v5;
	v8 =	vld.idx.msk [tilespmem:v21+s18+$0x0], $0xffff  }
0x177: {  	s28 =	sadd.s32 $0xFFFFFFF9, s25;
	s26 =	sadd.s32 $0x8, s26;
	v15 =	vadd.s32 s29, v5;
	v11 =	vld.idx.msk [tilespmem:v17+s18+$0x0], $0xffff;
	v17 =	vadd.f32 v22, v18;
	v18 =	vadd.f32 v20, v19  }
0x178: {  	_ =	sdelay $0x3  }
0x179: {  	v19 =	vadd.s32 s28, v5;
	s26 =	sadd.s32 $0xFFFFFFFC, s25;
	v14 =	vld.idx.msk [tilespmem:v14+s18+$0x0], $0xffff;
	v10 =	vadd.f32 v10, v17;
	v7 =	vadd.f32 v7, v18  }
0x17a: {  	s31 =	sadd.s32 $0xFFFFFFFB, s25;
	v16 =	vld.idx.msk [tilespmem:v16+s18+$0x0], $0xffff;
	v55 =	vadd.s32 s26, v5  }
0x17b: {  	v13 =	vld.idx.msk [tilespmem:v13+s18+$0x0], $0xffff;
	s30 =	sadd.s32 $0xFFFFFFFD, s25;
	v56 =	vadd.s32 s31, v5;
	v9 =	vadd.f32 v9, v10;
	v6 =	vadd.f32 v6, v7  }
0x17c: {  	s29 =	sadd.s32 $0xFFFFFFFE, s25;
	v57 =	vld.idx.msk [tilespmem:v12+s18+$0x0], $0xffff;
	v59 =	vadd.s32 s30, v5  }
0x17d: {  	v58 =	vld.idx.msk [tilespmem:v15+s18+$0x0], $0xffff;
	v7 =	vadd.s32 s29, v5;
	v9 =	vadd.f32 v11, v9;
	v6 =	vadd.f32 v8, v6  }
0x17e: {  	v61 =	vadd.s32 s25, v5;
	s31 =	sadd.s32 $0xFFFFFFFF, s25;
	v60 =	vld.idx.msk [tilespmem:v19+s18+$0x0], $0xffff  }
0x17f: {  	v5 =	vadd.s32 s31, v5;
	v17 =	vld.idx.msk [tilespmem:v55+s18+$0x0], $0xffff;
	v9 =	vadd.f32 v16, v9;
	v6 =	vadd.f32 v14, v6  }
0x180: {  	v62 =	vld.idx.msk [tilespmem:v56+s18+$0x0], $0xffff  }
0x181: {  	v63 =	vld.idx.msk [tilespmem:v59+s18+$0x0], $0xffff;
	v9 =	vadd.f32 v57, v9;
	v6 =	vadd.f32 v13, v6  }
0x182: {  	v7 =	vld.idx.msk [tilespmem:v7+s18+$0x0], $0xffff  }
0x183: {  	v11 =	vld.idx.msk [tilespmem:v61+s18+$0x0], $0xffff;
	v8 =	vadd.f32 v60, v9;
	v6 =	vadd.f32 v58, v6  }
0x184: {  	v5 =	vld.idx.msk [tilespmem:v5+s18+$0x0], $0xffff  }
0x185: {  	v8 =	vadd.f32 v62, v8;
	v6 =	vadd.f32 v17, v6;
	_ =	sdelay $0x1  }
0x186: {  	v8 =	vadd.f32 v63, v8;
	v6 =	vadd.f32 v7, v6;
	_ =	sdelay $0x1  }
0x187: {  	v5 =	vadd.f32 v5, v8;
	v6 =	vadd.f32 v11, v6;
	_ =	sdelay $0x1  }
0x188: {  	v5 =	vadd.f32 v6, v5;
	_ =	sdelay $0x1  }
0x189: {  	s23 =	sadd.s32 $0x1, s23;
	v5 =	vmul.f32 v5, v2  }
0x18a: {  	p0 =	sne.s32 s23, $0x4  }
.Ltmp11:
0x18b: {  	v5 =	vadd.f32 v5, v3;
	(pc) =	sbr.rel @p0 .LBB2_22-.Ltmp11, $4  }
0x18c: {  	_ = 	snop  }
0x18d: {  	vm0 =	vge.f32 v5, v4  }
0x18e: {  	[tilespmem:s24+$0x6540] =	vst v5;
	v6 =	vsel vm0, $0x3F800000, v1  }
0x18f: {  	[tilespmem:s24+$0x6740] =	vst v6  }
0x190: {  	s23 =	simm.s32 $0x0  }
0x191: {  	[tilespmem:s23], [sflag:$0x2] =	stream.linear.gather [hbm4b:s11+s23], $0x3200, $0x38;
	[tilespmem:$0x6880] =	vst v63  }
0x192: {  	_ =	swait.ge [sflag:s17], $0x3200  }
0x193: {  	[sflag:s17] =	ssyncset.done $0x0  }
0x194: {  	[sflag:s17] =	ssyncadd.s32 $0xFFFFCE00  }
0x195: {  	[tilespmem:s18], [sflag:$0x1] =	stream.indirect.gather [hbm4b:s1+s18], $0x1, s23, s18, $0xb8;
	[tilespmem:$0x6880] =	vst v63  }
0x196: {  	_ =	swait.ge [sflag:s19], $0x3200  }
0x197: {  	[sflag:s19] =	ssyncset.done $0x0  }
0x198: {  	[sflag:s19] =	ssyncadd.s32 $0xFFFFCE00  }
.LBB2_26:
0x199: {  	s24 =	sshll.u32 s23, $0x4  }
0x19a: {  	v5 =	vmov s24  }
0x19b: {  	v5 =	vmul.u32 $0xC8, v5;
	_ =	sdelay $0x1  }
0x19c: {  	v5 =	vbroadcast v5, $0x0;
	_ =	sdelay $0x1  }
0x19d: {  	s25 =	simm.s32 $0x1;
	v5 =	vadd.s32 v0, v5  }
0x19e: {  	s26 =	simm.s32 $0x0;
	v6 =	vadd.s32 s25, v5  }
0x19f: {  	s29 =	simm.s32 $0x2;
	v7 =	vadd.s32 s26, v5  }
0x1a0: {  	s26 =	simm.s32 $0x3;
	v9 =	vadd.s32 s29, v5  }
0x1a1: {  	s31 =	simm.s32 $0x4;
	v8 =	vadd.s32 s26, v5  }
0x1a2: {  	s30 =	simm.s32 $0x5;
	v11 =	vadd.s32 s31, v5  }
0x1a3: {  	v10 =	vadd.s32 s30, v5;
	s29 =	simm.s32 $0x7;
	v6 =	vld.idx.msk [tilespmem:v6+s18+$0x0], $0xffff  }
0x1a4: {  	s31 =	simm.s32 $0x9;
	v12 =	vld.idx.msk [tilespmem:v7+s18+$0x0], $0xffff;
	v7 =	vadd.s32 s29, v5  }
0x1a5: {  	s30 =	simm.s32 $0x6;
	v14 =	vadd.s32 s31, v5;
	v15 =	vld.idx.msk [tilespmem:v9+s18+$0x0], $0xffff  }
0x1a6: {  	v13 =	vadd.s32 s30, v5;
	s31 =	simm.s32 $0xA;
	v8 =	vld.idx.msk [tilespmem:v8+s18+$0x0], $0xffff  }
0x1a7: {  	s29 =	simm.s32 $0x8;
	v19 =	vld.idx.msk [tilespmem:v11+s18+$0x0], $0xffff;
	v11 =	vadd.s32 s31, v5  }
0x1a8: {  	s30 =	simm.s32 $0xB;
	v18 =	vld.idx.msk [tilespmem:v10+s18+$0x0], $0xffff;
	v10 =	vimm.f32 $0.0e+00;
	v9 =	vadd.s32 s29, v5  }
0x1a9: {  	s26 =	simm.s32 $0xD;
	v17 =	vadd.s32 s30, v5;
	v7 =	vld.idx.msk [tilespmem:v7+s18+$0x0], $0xffff;
	v16 =	vadd.f32 v6, v10  }
0x1aa: {  	s28 =	simm.s32 $0xC;
	v12 =	vadd.f32 v12, v10;
	v6 =	vld.idx.msk [tilespmem:v14+s18+$0x0], $0xffff;
	v14 =	vadd.s32 s26, v5  }
0x1ab: {  	s29 =	simm.s32 $0xF;
	v10 =	vld.idx.msk [tilespmem:v13+s18+$0x0], $0xffff;
	v21 =	vadd.f32 v8, v16;
	v16 =	vadd.s32 s28, v5  }
0x1ac: {  	s30 =	simm.s32 $0xE;
	v13 =	vadd.s32 s29, v5;
	v11 =	vld.idx.msk [tilespmem:v11+s18+$0x0], $0xffff;
	v20 =	vadd.f32 v15, v12  }
0x1ad: {  	s31 =	simm.s32 $0x11;
	v9 =	vld.idx.msk [tilespmem:v9+s18+$0x0], $0xffff;
	v12 =	vadd.s32 s30, v5  }
0x1ae: {  	s25 =	simm.s32 $0x17;
	s26 =	simm.s32 $0x1F;
	v8 =	vld.idx.msk [tilespmem:v17+s18+$0x0], $0xffff;
	s28 =	simm.s32 $0x10;
	v15 =	vadd.s32 s31, v5;
	v17 =	vadd.f32 v19, v20;
	v18 =	vadd.f32 v18, v21  }
.LBB2_27:
0x1af: {  	p0 =	sne.s32 s26, $0xC7;
	v19 =	vadd.s32 s28, v5;
	s28 =	sadd.s32 $0xFFFFFFFC, s25;
	v20 =	vld.idx.msk [tilespmem:v14+s18+$0x0], $0xffff  }
0x1b0: {  	s29 =	sadd.s32 $0xFFFFFFFB, s25;
	v21 =	vadd.s32 s28, v5;
	v22 =	vld.idx.msk [tilespmem:v16+s18+$0x0], $0xffff;
	v10 =	vadd.f32 v10, v17;
	v16 =	vadd.f32 v7, v18  }
0x1b1: {  	v17 =	vadd.s32 s29, v5;
	s28 =	sadd.s32 $0xFFFFFFFE, s25;
	v7 =	vld.idx.msk [tilespmem:v13+s18+$0x0], $0xffff  }
.Ltmp12:
0x1b2: {  	s29 =	sadd.s32 $0xFFFFFFFD, s25;
	v14 =	vadd.s32 s28, v5;
	v18 =	vadd.f32 v9, v10;
	v23 =	vadd.f32 v6, v16;
	v10 =	vld.idx.msk [tilespmem:v12+s18+$0x0], $0xffff;
	(pc) =	sbr.rel @p0 .LBB2_27-.Ltmp12, $4  }
0x1b3: {  	v16 =	vadd.s32 s29, v5;
	v6 =	vld.idx.msk [tilespmem:v15+s18+$0x0], $0xffff  }
0x1b4: {  	s28 =	sadd.s32 $0xFFFFFFFF, s25;
	v13 =	vadd.s32 s25, v5;
	s25 =	smov.u32 s26;
	v9 =	vld.idx.msk [tilespmem:v19+s18+$0x0], $0xffff;
	v18 =	vadd.f32 v11, v18;
	v19 =	vadd.f32 v8, v23  }
0x1b5: {  	s29 =	sadd.s32 $0xFFFFFFFA, s26;
	v12 =	vadd.s32 s28, v5;
	v8 =	vld.idx.msk [tilespmem:v21+s18+$0x0], $0xffff  }
0x1b6: {  	s28 =	sadd.s32 $0xFFFFFFF9, s25;
	s26 =	sadd.s32 $0x8, s26;
	v15 =	vadd.s32 s29, v5;
	v11 =	vld.idx.msk [tilespmem:v17+s18+$0x0], $0xffff;
	v17 =	vadd.f32 v22, v18;
	v18 =	vadd.f32 v20, v19  }
0x1b7: {  	_ =	sdelay $0x3  }
0x1b8: {  	v19 =	vadd.s32 s28, v5;
	s26 =	sadd.s32 $0xFFFFFFFC, s25;
	v14 =	vld.idx.msk [tilespmem:v14+s18+$0x0], $0xffff;
	v10 =	vadd.f32 v10, v17;
	v7 =	vadd.f32 v7, v18  }
0x1b9: {  	s31 =	sadd.s32 $0xFFFFFFFB, s25;
	v16 =	vld.idx.msk [tilespmem:v16+s18+$0x0], $0xffff;
	v55 =	vadd.s32 s26, v5  }
0x1ba: {  	v13 =	vld.idx.msk [tilespmem:v13+s18+$0x0], $0xffff;
	s30 =	sadd.s32 $0xFFFFFFFD, s25;
	v56 =	vadd.s32 s31, v5;
	v9 =	vadd.f32 v9, v10;
	v6 =	vadd.f32 v6, v7  }
0x1bb: {  	s29 =	sadd.s32 $0xFFFFFFFE, s25;
	v57 =	vld.idx.msk [tilespmem:v12+s18+$0x0], $0xffff;
	v59 =	vadd.s32 s30, v5  }
0x1bc: {  	v58 =	vld.idx.msk [tilespmem:v15+s18+$0x0], $0xffff;
	v7 =	vadd.s32 s29, v5;
	v9 =	vadd.f32 v11, v9;
	v6 =	vadd.f32 v8, v6  }
0x1bd: {  	v61 =	vadd.s32 s25, v5;
	s31 =	sadd.s32 $0xFFFFFFFF, s25;
	v60 =	vld.idx.msk [tilespmem:v19+s18+$0x0], $0xffff  }
0x1be: {  	v5 =	vadd.s32 s31, v5;
	v17 =	vld.idx.msk [tilespmem:v55+s18+$0x0], $0xffff;
	v9 =	vadd.f32 v16, v9;
	v6 =	vadd.f32 v14, v6  }
0x1bf: {  	v62 =	vld.idx.msk [tilespmem:v56+s18+$0x0], $0xffff  }
0x1c0: {  	v63 =	vld.idx.msk [tilespmem:v59+s18+$0x0], $0xffff;
	v9 =	vadd.f32 v57, v9;
	v6 =	vadd.f32 v13, v6  }
0x1c1: {  	v7 =	vld.idx.msk [tilespmem:v7+s18+$0x0], $0xffff  }
0x1c2: {  	v11 =	vld.idx.msk [tilespmem:v61+s18+$0x0], $0xffff;
	v8 =	vadd.f32 v60, v9;
	v6 =	vadd.f32 v58, v6  }
0x1c3: {  	v5 =	vld.idx.msk [tilespmem:v5+s18+$0x0], $0xffff  }
0x1c4: {  	v8 =	vadd.f32 v62, v8;
	v6 =	vadd.f32 v17, v6;
	_ =	sdelay $0x1  }
0x1c5: {  	v8 =	vadd.f32 v63, v8;
	v6 =	vadd.f32 v7, v6;
	_ =	sdelay $0x1  }
0x1c6: {  	v5 =	vadd.f32 v5, v8;
	v6 =	vadd.f32 v11, v6;
	_ =	sdelay $0x1  }
0x1c7: {  	v5 =	vadd.f32 v6, v5;
	_ =	sdelay $0x1  }
0x1c8: {  	s23 =	sadd.s32 $0x1, s23;
	v5 =	vmul.f32 v5, v2  }
0x1c9: {  	p0 =	sne.s32 s23, $0x4  }
.Ltmp13:
0x1ca: {  	v5 =	vadd.f32 v5, v3;
	(pc) =	sbr.rel @p0 .LBB2_26-.Ltmp13, $4  }
0x1cb: {  	_ = 	snop  }
0x1cc: {  	vm0 =	vge.f32 v5, v4  }
0x1cd: {  	[tilespmem:s24+$0x6580] =	vst v5;
	v6 =	vsel vm0, $0x3F800000, v1  }
0x1ce: {  	[tilespmem:s24+$0x6780] =	vst v6  }
0x1cf: {  	s23 =	simm.s32 $0x0  }
0x1d0: {  	[tilespmem:s23], [sflag:$0x2] =	stream.linear.gather [hbm4b:s12+s23], $0x3200, $0x38;
	[tilespmem:$0x6880] =	vst v63  }
0x1d1: {  	_ =	swait.ge [sflag:s17], $0x3200  }
0x1d2: {  	[sflag:s17] =	ssyncset.done $0x0  }
0x1d3: {  	[sflag:s17] =	ssyncadd.s32 $0xFFFFCE00  }
0x1d4: {  	[tilespmem:s18], [sflag:$0x1] =	stream.indirect.gather [hbm4b:s1+s18], $0x1, s23, s18, $0xb8;
	[tilespmem:$0x6880] =	vst v63  }
0x1d5: {  	_ =	swait.ge [sflag:s19], $0x3200  }
0x1d6: {  	[sflag:s19] =	ssyncset.done $0x0  }
0x1d7: {  	[sflag:s19] =	ssyncadd.s32 $0xFFFFCE00  }
.LBB2_30:
0x1d8: {  	s24 =	sshll.u32 s23, $0x4  }
0x1d9: {  	v5 =	vmov s24  }
0x1da: {  	v5 =	vmul.u32 $0xC8, v5;
	_ =	sdelay $0x1  }
0x1db: {  	v5 =	vbroadcast v5, $0x0;
	_ =	sdelay $0x1  }
0x1dc: {  	s25 =	simm.s32 $0x1;
	v5 =	vadd.s32 v0, v5  }
0x1dd: {  	s26 =	simm.s32 $0x0;
	v6 =	vadd.s32 s25, v5  }
0x1de: {  	s29 =	simm.s32 $0x2;
	v7 =	vadd.s32 s26, v5  }
0x1df: {  	s26 =	simm.s32 $0x3;
	v9 =	vadd.s32 s29, v5  }
0x1e0: {  	s31 =	simm.s32 $0x4;
	v8 =	vadd.s32 s26, v5  }
0x1e1: {  	s30 =	simm.s32 $0x5;
	v11 =	vadd.s32 s31, v5  }
0x1e2: {  	v10 =	vadd.s32 s30, v5;
	s29 =	simm.s32 $0x7;
	v6 =	vld.idx.msk [tilespmem:v6+s18+$0x0], $0xffff  }
0x1e3: {  	s31 =	simm.s32 $0x9;
	v12 =	vld.idx.msk [tilespmem:v7+s18+$0x0], $0xffff;
	v7 =	vadd.s32 s29, v5  }
0x1e4: {  	s30 =	simm.s32 $0x6;
	v14 =	vadd.s32 s31, v5;
	v15 =	vld.idx.msk [tilespmem:v9+s18+$0x0], $0xffff  }
0x1e5: {  	v13 =	vadd.s32 s30, v5;
	s31 =	simm.s32 $0xA;
	v8 =	vld.idx.msk [tilespmem:v8+s18+$0x0], $0xffff  }
0x1e6: {  	s29 =	simm.s32 $0x8;
	v19 =	vld.idx.msk [tilespmem:v11+s18+$0x0], $0xffff;
	v11 =	vadd.s32 s31, v5  }
0x1e7: {  	s30 =	simm.s32 $0xB;
	v18 =	vld.idx.msk [tilespmem:v10+s18+$0x0], $0xffff;
	v10 =	vimm.f32 $0.0e+00;
	v9 =	vadd.s32 s29, v5  }
0x1e8: {  	s26 =	simm.s32 $0xD;
	v17 =	vadd.s32 s30, v5;
	v7 =	vld.idx.msk [tilespmem:v7+s18+$0x0], $0xffff;
	v16 =	vadd.f32 v6, v10  }
0x1e9: {  	s28 =	simm.s32 $0xC;
	v12 =	vadd.f32 v12, v10;
	v6 =	vld.idx.msk [tilespmem:v14+s18+$0x0], $0xffff;
	v14 =	vadd.s32 s26, v5  }
0x1ea: {  	s29 =	simm.s32 $0xF;
	v10 =	vld.idx.msk [tilespmem:v13+s18+$0x0], $0xffff;
	v21 =	vadd.f32 v8, v16;
	v16 =	vadd.s32 s28, v5  }
0x1eb: {  	s30 =	simm.s32 $0xE;
	v13 =	vadd.s32 s29, v5;
	v11 =	vld.idx.msk [tilespmem:v11+s18+$0x0], $0xffff;
	v20 =	vadd.f32 v15, v12  }
0x1ec: {  	s31 =	simm.s32 $0x11;
	v9 =	vld.idx.msk [tilespmem:v9+s18+$0x0], $0xffff;
	v12 =	vadd.s32 s30, v5  }
0x1ed: {  	s25 =	simm.s32 $0x17;
	s26 =	simm.s32 $0x1F;
	v8 =	vld.idx.msk [tilespmem:v17+s18+$0x0], $0xffff;
	s28 =	simm.s32 $0x10;
	v15 =	vadd.s32 s31, v5;
	v17 =	vadd.f32 v19, v20;
	v18 =	vadd.f32 v18, v21  }
.LBB2_31:
0x1ee: {  	p0 =	sne.s32 s26, $0xC7;
	v19 =	vadd.s32 s28, v5;
	s28 =	sadd.s32 $0xFFFFFFFC, s25;
	v20 =	vld.idx.msk [tilespmem:v14+s18+$0x0], $0xffff  }
0x1ef: {  	s29 =	sadd.s32 $0xFFFFFFFB, s25;
	v21 =	vadd.s32 s28, v5;
	v22 =	vld.idx.msk [tilespmem:v16+s18+$0x0], $0xffff;
	v10 =	vadd.f32 v10, v17;
	v16 =	vadd.f32 v7, v18  }
0x1f0: {  	v17 =	vadd.s32 s29, v5;
	s28 =	sadd.s32 $0xFFFFFFFE, s25;
	v7 =	vld.idx.msk [tilespmem:v13+s18+$0x0], $0xffff  }
.Ltmp14:
0x1f1: {  	s29 =	sadd.s32 $0xFFFFFFFD, s25;
	v14 =	vadd.s32 s28, v5;
	v18 =	vadd.f32 v9, v10;
	v23 =	vadd.f32 v6, v16;
	v10 =	vld.idx.msk [tilespmem:v12+s18+$0x0], $0xffff;
	(pc) =	sbr.rel @p0 .LBB2_31-.Ltmp14, $4  }
0x1f2: {  	v16 =	vadd.s32 s29, v5;
	v6 =	vld.idx.msk [tilespmem:v15+s18+$0x0], $0xffff  }
0x1f3: {  	s28 =	sadd.s32 $0xFFFFFFFF, s25;
	v13 =	vadd.s32 s25, v5;
	s25 =	smov.u32 s26;
	v9 =	vld.idx.msk [tilespmem:v19+s18+$0x0], $0xffff;
	v18 =	vadd.f32 v11, v18;
	v19 =	vadd.f32 v8, v23  }
0x1f4: {  	s29 =	sadd.s32 $0xFFFFFFFA, s26;
	v12 =	vadd.s32 s28, v5;
	v8 =	vld.idx.msk [tilespmem:v21+s18+$0x0], $0xffff  }
0x1f5: {  	s28 =	sadd.s32 $0xFFFFFFF9, s25;
	s26 =	sadd.s32 $0x8, s26;
	v15 =	vadd.s32 s29, v5;
	v11 =	vld.idx.msk [tilespmem:v17+s18+$0x0], $0xffff;
	v17 =	vadd.f32 v22, v18;
	v18 =	vadd.f32 v20, v19  }
0x1f6: {  	_ =	sdelay $0x3  }
0x1f7: {  	v19 =	vadd.s32 s28, v5;
	s26 =	sadd.s32 $0xFFFFFFFC, s25;
	v14 =	vld.idx.msk [tilespmem:v14+s18+$0x0], $0xffff;
	v10 =	vadd.f32 v10, v17;
	v7 =	vadd.f32 v7, v18  }
0x1f8: {  	s31 =	sadd.s32 $0xFFFFFFFB, s25;
	v16 =	vld.idx.msk [tilespmem:v16+s18+$0x0], $0xffff;
	v55 =	vadd.s32 s26, v5  }
0x1f9: {  	v13 =	vld.idx.msk [tilespmem:v13+s18+$0x0], $0xffff;
	s30 =	sadd.s32 $0xFFFFFFFD, s25;
	v56 =	vadd.s32 s31, v5;
	v9 =	vadd.f32 v9, v10;
	v6 =	vadd.f32 v6, v7  }
0x1fa: {  	s29 =	sadd.s32 $0xFFFFFFFE, s25;
	v57 =	vld.idx.msk [tilespmem:v12+s18+$0x0], $0xffff;
	v59 =	vadd.s32 s30, v5  }
0x1fb: {  	v58 =	vld.idx.msk [tilespmem:v15+s18+$0x0], $0xffff;
	v7 =	vadd.s32 s29, v5;
	v9 =	vadd.f32 v11, v9;
	v6 =	vadd.f32 v8, v6  }
0x1fc: {  	v61 =	vadd.s32 s25, v5;
	s31 =	sadd.s32 $0xFFFFFFFF, s25;
	v60 =	vld.idx.msk [tilespmem:v19+s18+$0x0], $0xffff  }
0x1fd: {  	v5 =	vadd.s32 s31, v5;
	v17 =	vld.idx.msk [tilespmem:v55+s18+$0x0], $0xffff;
	v9 =	vadd.f32 v16, v9;
	v6 =	vadd.f32 v14, v6  }
0x1fe: {  	v62 =	vld.idx.msk [tilespmem:v56+s18+$0x0], $0xffff  }
0x1ff: {  	v63 =	vld.idx.msk [tilespmem:v59+s18+$0x0], $0xffff;
	v9 =	vadd.f32 v57, v9;
	v6 =	vadd.f32 v13, v6  }
0x200: {  	v7 =	vld.idx.msk [tilespmem:v7+s18+$0x0], $0xffff  }
0x201: {  	v11 =	vld.idx.msk [tilespmem:v61+s18+$0x0], $0xffff;
	v8 =	vadd.f32 v60, v9;
	v6 =	vadd.f32 v58, v6  }
0x202: {  	v5 =	vld.idx.msk [tilespmem:v5+s18+$0x0], $0xffff  }
0x203: {  	v8 =	vadd.f32 v62, v8;
	v6 =	vadd.f32 v17, v6;
	_ =	sdelay $0x1  }
0x204: {  	v8 =	vadd.f32 v63, v8;
	v6 =	vadd.f32 v7, v6;
	_ =	sdelay $0x1  }
0x205: {  	v5 =	vadd.f32 v5, v8;
	v6 =	vadd.f32 v11, v6;
	_ =	sdelay $0x1  }
0x206: {  	v5 =	vadd.f32 v6, v5;
	_ =	sdelay $0x1  }
0x207: {  	s23 =	sadd.s32 $0x1, s23;
	v5 =	vmul.f32 v5, v2  }
0x208: {  	p0 =	sne.s32 s23, $0x4  }
.Ltmp15:
0x209: {  	v5 =	vadd.f32 v5, v3;
	(pc) =	sbr.rel @p0 .LBB2_30-.Ltmp15, $4  }
0x20a: {  	_ = 	snop  }
0x20b: {  	vm0 =	vge.f32 v5, v4  }
0x20c: {  	[tilespmem:s24+$0x65C0] =	vst v5;
	v6 =	vsel vm0, $0x3F800000, v1  }
0x20d: {  	[tilespmem:s24+$0x67C0] =	vst v6  }
0x20e: {  	[hbm4b:s13+s4] =	stream.linear.scatter [tilespmem:s20], [sflag:$0x2], $0x200, $0x38;
	[tilespmem:$0x6880] =	vst v63  }
0x20f: {  	s22 =	sadd.s32 $0x1, s22;
	_ =	swait.ge [sflag:s17], $0x200  }
0x210: {  	p0 =	sne.s32 s22, s15;
	[sflag:s17] =	ssyncset.done $0x0  }
.Ltmp16:
0x211: {  	[sflag:s17] =	ssyncadd.s32 $0xFFFFFE00;
	(pc) =	sbr.rel @p0 .LBB2_1-.Ltmp16, $4  }
0x212: {  	[hbm4b:s14+s4] =	stream.linear.scatter [tilespmem:s21], [sflag:$0x2], $0x200, $0x38;
	[tilespmem:$0x6880] =	vst v63  }
0x213: {  	_ =	swait.ge [sflag:s17], $0x200  }
0x214: {  	[sflag:s17] =	ssyncset.done $0x0  }
0x215: {  	[sflag:s17] =	ssyncadd.s32 $0xFFFFFE00  }
0x216: {  	_ =	sfence.sel $0x180000  }
0x217: {  	[bflag:$0x0] =	sbarrier.arrive $0xFFFF  }
0x218: {  	p0 =	sne.s32 s0, $0x0;
	_ =	strace $0x90000047  }
0x219: {  	s0 =	sadd.s32 @!p0 $0x100000, s3;
	[bflag:$0x2] =	sbarrier.arrive $0xFFFF  }
0x21a: {  	[sflag:s0] =	ssyncadd.tile.s32 @!p0 $0x1;
	_ =	shalt  }
.Lfunc_end2:
_tile_overlayer_lowered:
.L_overlay_start_2:
0x21b: {  	(tag) =	ssettag $0x2  }
0x21c: {  	s0 =	rddreg [dreg:$0x0];
	s2 =	stileid.u32  }
0x21d: {  	s1 =	rddreg [dreg:$0x1];
	p0 =	sne.s32 s2, $0x0  }
0x21e: {  	s3 =	rddreg [dreg:$0x2];
	[bflag:$0x3] =	sbarrier.arrive $0xFFFF;
	s2 =	simm.s32 @!p0 $0x1C02  }
0x21f: {  	[timem:s3], [sflag:s2] =	dma.local @!p0 [hbm:s0], s1  }
0x220: {  	s0 =	simm.s32 @!p0 $0x2  }
0x221: {  	_ =	swait.ge @!p0 [sflag:s0], s1  }
0x222: {  	s1 =	ssub.s32 @!p0 $0x0, s1;
	[sflag:s0] =	ssyncset.done @!p0 $0x0  }
0x223: {  	[sflag:s0] =	ssyncadd.s32 @!p0 s1  }
0x224: {  	[bflag:$0x3] =	sbarrier.arrive $0xFFFF  }
0x225: {  	_ =	shalt  }

</sc_bundles>
